<compile_context>
chip_gen: v7x
topology: tpu7x:2x2x1
jax: 0.10.2.dev20260603
libtpu: 0.0.44.dev20260713+nightly
codegen_flags: <defaults>
</compile_context>

<pallas_src>
import functools

import jax
import jax.numpy as jnp
from jax import lax
from jax.experimental import pallas as pl
from jax.experimental.pallas import tpu as pltpu
from jax.experimental.pallas import tpu_sc as plsc

B_, T_, K_ = 16, 1024, 256
M = B_ * T_
NE = 8192
BM = 1024
LANES = 128

_REGIONS = ((0, 2816), (2816, 5632), (5632, 8192))


def _argmax_body(x_ref, e_ref, o_ref):
    x = x_ref[...]
    lane_iota = lax.broadcasted_iota(jnp.int32, (BM, LANES), 1)

    acc_v = None
    acc_i = None
    for lo, hi in _REGIONS:
        w = hi - lo
        e = e_ref[lo:hi, :]
        sim = lax.dot_general(
            x, e, (((1,), (1,)), ((), ())),
            preferred_element_type=jnp.float32)
        rv = sim[:, 0:LANES]
        ri = lane_iota + lo
        for k in range(1, w // LANES):
            b = sim[:, k * LANES:(k + 1) * LANES]
            upd = b > rv
            rv = jnp.maximum(rv, b)
            ri = jnp.where(upd, lane_iota + (lo + k * LANES), ri)
        lm = jnp.max(rv, axis=1, keepdims=True)
        la = jnp.min(jnp.where(rv == lm, ri, NE), axis=1, keepdims=True)
        if acc_v is None:
            acc_v, acc_i = lm, la
        else:
            carry = acc_v.astype(jnp.bfloat16).astype(jnp.float32)
            upd = lm > carry
            acc_v = jnp.where(upd, lm, acc_v)
            acc_i = jnp.where(upd, la, acc_i)
    o_ref[0, 0, :] = acc_i[:, 0]


def _matmul_argmax(x, embd):
    m = x.shape[0]
    return pl.pallas_call(
        _argmax_body,
        grid=(m // BM,),
        in_specs=[
            pl.BlockSpec((BM, K_), lambda i: (i, 0)),
            pl.BlockSpec((NE, K_), lambda i: (0, 0)),
        ],
        out_specs=pl.BlockSpec((1, 1, BM), lambda i: (i, 0, 0)),
        out_shape=jax.ShapeDtypeStruct((m // BM, 1, BM), jnp.int32),
    )(x, embd)


def _make_sc_gather(m):
    info = plsc.get_sparse_core_info()
    nc, ns = info.num_cores, info.num_subcores
    nw = nc * ns
    b_per_w = m // nw
    ch = min(128, b_per_w)
    n_ch = b_per_w // ch
    mesh = plsc.VectorSubcoreMesh(core_axis_name="c", subcore_axis_name="s")

    @functools.partial(
        pl.kernel, mesh=mesh,
        out_type=jax.ShapeDtypeStruct((m, K_), jnp.float32),
        scratch_types=[
            pltpu.VMEM((b_per_w,), jnp.int32),
            pltpu.VMEM((2, ch, K_), jnp.float32),
            pltpu.SemaphoreType.DMA,
            pltpu.SemaphoreType.DMA,
        ],
    )
    def gather_k(embd_hbm, idx_hbm, out_hbm, idx_v, rows_v, sem0, sem1):
        wid = lax.axis_index("s") * nc + lax.axis_index("c")
        base = wid * b_per_w
        pltpu.sync_copy(idx_hbm.at[pl.ds(base, b_per_w)], idx_v)
        sems = (sem0, sem1)
        cps = []
        for c in range(n_ch):
            cps.append(pltpu.async_copy(
                embd_hbm.at[idx_v.at[pl.ds(c * ch, ch)]],
                rows_v.at[c % 2], sems[c % 2]))
            if c > 0:
                cps[c - 1].wait()
                pltpu.sync_copy(rows_v.at[(c - 1) % 2],
                                out_hbm.at[pl.ds(base + (c - 1) * ch, ch)])
        cps[n_ch - 1].wait()
        pltpu.sync_copy(rows_v.at[(n_ch - 1) % 2],
                        out_hbm.at[pl.ds(base + (n_ch - 1) * ch, ch)])

    return gather_k


_sc_gather = _make_sc_gather(M)


def kernel(input, embd):
    x = input.reshape(M, K_)
    idx_flat = _matmul_argmax(x, embd).reshape(M)
    quant = _sc_gather(embd, idx_flat)
    return quant.reshape(B_, T_, K_), idx_flat.reshape(B_, T_)

# --- scband reference (transcript-rebuilt; emitter-appended) ---
"""Pipeline reference for scband-kmeans-quantize-19516331393420 (READ-ONLY COPY).

The authoritative reference and input builder live on the scoring server;
editing this copy changes nothing except your own understanding.
"""

import jax, jax.numpy as jnp
import numpy as np


def setup_inputs(seed: int = 0) -> dict:
    key = jax.random.key(seed)
    k1, k2 = jax.random.split(key)
    inp = jax.random.normal(k1, (16, 1024, 256), dtype=jnp.float32)
    # learned/buffer codebook: registered buffer 'embd' of shape [n_embed, embd_dim]
    embd = jax.random.normal(k2, (8192, 256), dtype=jnp.float32)
    return {"input": inp, "embd": embd}


def reference(input, embd):
    # similarity = input @ embd.t()  -> [B, T, n_embed]
    similarity = input @ embd.T
    # idxs = similarity.argmax(-1)
    idxs = jnp.argmax(similarity, axis=-1)
    # quantize = F.embedding(idxs, embd)
    quantize = jnp.take(embd, idxs, axis=0)
    # training branch skipped (eval mode): codebook copy_ update not executed
    # straight-through estimator: quantize = input + (quantize - input).detach()
    quantize = input + jax.lax.stop_gradient(quantize - input)
    return quantize, idxs

if __name__ == "__main__":
    import jax
    _d = setup_inputs()
    print(jax.jit(kernel)(*tuple(_d.values())))

</pallas_src>

<mosaic_0001>
#map = affine_map<(d0, d1) -> (0, 0)>
#map1 = affine_map<(d0, d1) -> (0)>
module attributes {stable_mosaic.version = 14 : i64} {
  func.func @gather_k(%arg0: i32, %arg1: i32, %arg2: memref<8192x256xf32, #tpu.memory_space<hbm>>, %arg3: memref<16384xi32, #tpu.memory_space<hbm>>, %arg4: memref<16384x256xf32, #tpu.memory_space<hbm>>, %arg5: memref<512xi32, #tpu.memory_space<vmem>>, %arg6: memref<2x128x256xf32, #tpu.memory_space<vmem>>, %arg7: memref<!tpu.dma_semaphore, #tpu.memory_space<semaphore_mem>>, %arg8: memref<!tpu.dma_semaphore, #tpu.memory_space<semaphore_mem>>) attributes {dimension_semantics = [#tpu.dimension_semantics<core_parallel>, #tpu.dimension_semantics<subcore_parallel>], iteration_bounds = array<i64: 2, 16>, scalar_prefetch = 0 : i64, scratch_operands = 4 : i64, tpu.core_type = #tpu.core_type<sc_vector_subcore>, window_params = [{transform_indices = #map}, {transform_indices = #map1}, {transform_indices = #map}]} {
    %mul3A = arith.constant 2 : i32
    %mul3A_0 = arith.muli %arg1, %mul3A : i32
    %add3A = arith.addi %mul3A_0, %arg0 : i32
    %mul3A_1 = arith.constant 512 : i32
    %mul3A_2 = arith.muli %add3A, %mul3A_1 : i32
    "tpu.region"() ({
      %run_scoped3A_92 = tpu.sem_alloc : memref<!tpu.dma_semaphore, #tpu.memory_space<semaphore_mem>>
      %dma_start3A_93 = tpu.memref_slice %arg3[%mul3A_2] : memref<16384xi32, #tpu.memory_space<hbm>> -> memref<512xi32, #tpu.memory_space<hbm>>
      %dma_start3A_94 = tpu.memref_slice %arg3[%mul3A_2] : memref<16384xi32, #tpu.memory_space<hbm>> -> memref<512xi32, #tpu.memory_space<hbm>>
      tpu.enqueue_dma source(%dma_start3A_94 : memref<512xi32, #tpu.memory_space<hbm>>) target(%arg5 : memref<512xi32, #tpu.memory_space<vmem>>) target_semaphore(%run_scoped3A_92 : memref<!tpu.dma_semaphore, #tpu.memory_space<semaphore_mem>>)
      %dma_wait3A_95 = tpu.memref_slice %arg3[%mul3A_2] : memref<16384xi32, #tpu.memory_space<hbm>> -> memref<512xi32, #tpu.memory_space<hbm>>
      %dma_wait3A_96 = tpu.memref_slice %arg3[%mul3A_2] : memref<16384xi32, #tpu.memory_space<hbm>> -> memref<512xi32, #tpu.memory_space<hbm>>
      tpu.wait_dma2 semaphore(%run_scoped3A_92 : memref<!tpu.dma_semaphore, #tpu.memory_space<semaphore_mem>>) src(%dma_wait3A_96 : memref<512xi32, #tpu.memory_space<hbm>>) dst(%arg5 : memref<512xi32, #tpu.memory_space<vmem>>)
      tpu.yield
    }) : () -> ()
    %dma_start3A = arith.constant 0 : i32
    %dma_start3A_3 = arith.constant 0 : i32
    %dma_start3A_4 = arith.constant 0 : i32
    %dma_start3A_5 = tpu.memref_slice %arg6[%dma_start3A, %dma_start3A_3, %dma_start3A_4] : memref<2x128x256xf32, #tpu.memory_space<vmem>> -> memref<1x128x256xf32, #tpu.memory_space<vmem>>
    %dma_start3A_6 = tpu.memref_squeeze %dma_start3A_5 : memref<1x128x256xf32, #tpu.memory_space<vmem>> -> memref<128x256xf32, #tpu.memory_space<vmem>>
    %dma_start3A_7 = arith.constant 0 : i32
    %dma_start3A_8 = tpu.memref_slice %arg5[%dma_start3A_7] : memref<512xi32, #tpu.memory_space<vmem>> -> memref<128xi32, #tpu.memory_space<vmem>>
    %dma_start3A_9 = arith.constant 0 : i32
    %dma_start3A_10 = arith.constant 0 : i32
    %dma_start3A_11 = tpu.memref_slice %arg2[%dma_start3A_9, %dma_start3A_10] : memref<8192x256xf32, #tpu.memory_space<hbm>> -> memref<8192x256xf32, #tpu.memory_space<hbm>>
    tpu.enqueue_indirect_dma source(%dma_start3A_11 : memref<8192x256xf32, #tpu.memory_space<hbm>>) target(%dma_start3A_6 : memref<128x256xf32, #tpu.memory_space<vmem>>) offsets(%dma_start3A_8 : memref<128xi32, #tpu.memory_space<vmem>>) semaphore(%arg7 : memref<!tpu.dma_semaphore, #tpu.memory_space<semaphore_mem>>)
    %dma_start3A_12 = arith.constant 1 : i32
    %dma_start3A_13 = arith.constant 0 : i32
    %dma_start3A_14 = arith.constant 0 : i32
    %dma_start3A_15 = tpu.memref_slice %arg6[%dma_start3A_12, %dma_start3A_13, %dma_start3A_14] : memref<2x128x256xf32, #tpu.memory_space<vmem>> -> memref<1x128x256xf32, #tpu.memory_space<vmem>>
    %dma_start3A_16 = tpu.memref_squeeze %dma_start3A_15 : memref<1x128x256xf32, #tpu.memory_space<vmem>> -> memref<128x256xf32, #tpu.memory_space<vmem>>
    %dma_start3A_17 = arith.constant 128 : i32
    %dma_start3A_18 = tpu.memref_slice %arg5[%dma_start3A_17] : memref<512xi32, #tpu.memory_space<vmem>> -> memref<128xi32, #tpu.memory_space<vmem>>
    %dma_start3A_19 = arith.constant 0 : i32
    %dma_start3A_20 = arith.constant 0 : i32
    %dma_start3A_21 = tpu.memref_slice %arg2[%dma_start3A_19, %dma_start3A_20] : memref<8192x256xf32, #tpu.memory_space<hbm>> -> memref<8192x256xf32, #tpu.memory_space<hbm>>
    tpu.enqueue_indirect_dma source(%dma_start3A_21 : memref<8192x256xf32, #tpu.memory_space<hbm>>) target(%dma_start3A_16 : memref<128x256xf32, #tpu.memory_space<vmem>>) offsets(%dma_start3A_18 : memref<128xi32, #tpu.memory_space<vmem>>) semaphore(%arg8 : memref<!tpu.dma_semaphore, #tpu.memory_space<semaphore_mem>>)
    %dma_wait3A = arith.constant 0 : i32
    %dma_wait3A_22 = arith.constant 0 : i32
    %dma_wait3A_23 = arith.constant 0 : i32
    %dma_wait3A_24 = tpu.memref_slice %arg6[%dma_wait3A, %dma_wait3A_22, %dma_wait3A_23] : memref<2x128x256xf32, #tpu.memory_space<vmem>> -> memref<1x128x256xf32, #tpu.memory_space<vmem>>
    %dma_wait3A_25 = tpu.memref_squeeze %dma_wait3A_24 : memref<1x128x256xf32, #tpu.memory_space<vmem>> -> memref<128x256xf32, #tpu.memory_space<vmem>>
    %dma_wait3A_26 = arith.constant 0 : i32
    %dma_wait3A_27 = tpu.memref_slice %arg5[%dma_wait3A_26] : memref<512xi32, #tpu.memory_space<vmem>> -> memref<128xi32, #tpu.memory_space<vmem>>
    %dma_wait3A_28 = arith.constant 0 : i32
    %dma_wait3A_29 = arith.constant 0 : i32
    %dma_wait3A_30 = tpu.memref_slice %arg2[%dma_wait3A_28, %dma_wait3A_29] : memref<8192x256xf32, #tpu.memory_space<hbm>> -> memref<8192x256xf32, #tpu.memory_space<hbm>>
    tpu.wait_indirect_dma semaphore(%arg7 : memref<!tpu.dma_semaphore, #tpu.memory_space<semaphore_mem>>) src(%dma_wait3A_30 : memref<8192x256xf32, #tpu.memory_space<hbm>>) dst(%dma_wait3A_25 : memref<128x256xf32, #tpu.memory_space<vmem>>)
    %add3A_31 = arith.constant 0 : i32
    %add3A_32 = arith.addi %mul3A_2, %add3A_31 : i32
    %run_scoped3A = arith.constant 0 : i32
    "tpu.region"() ({
      %run_scoped3A_92 = tpu.sem_alloc : memref<!tpu.dma_semaphore, #tpu.memory_space<semaphore_mem>>
      %dma_start3A_93 = arith.constant 0 : i32
      %dma_start3A_94 = arith.constant 0 : i32
      %dma_start3A_95 = tpu.memref_slice %arg6[%run_scoped3A, %dma_start3A_93, %dma_start3A_94] : memref<2x128x256xf32, #tpu.memory_space<vmem>> -> memref<1x128x256xf32, #tpu.memory_space<vmem>>
      %dma_start3A_96 = tpu.memref_squeeze %dma_start3A_95 : memref<1x128x256xf32, #tpu.memory_space<vmem>> -> memref<128x256xf32, #tpu.memory_space<vmem>>
      %dma_start3A_97 = arith.constant 0 : i32
      %dma_start3A_98 = tpu.memref_slice %arg4[%add3A_32, %dma_start3A_97] : memref<16384x256xf32, #tpu.memory_space<hbm>> -> memref<128x256xf32, #tpu.memory_space<hbm>>
      %dma_start3A_99 = arith.constant 0 : i32
      %dma_start3A_100 = tpu.memref_slice %arg4[%add3A_32, %dma_start3A_99] : memref<16384x256xf32, #tpu.memory_space<hbm>> -> memref<128x256xf32, #tpu.memory_space<hbm>>
      %dma_start3A_101 = arith.constant 0 : i32
      %dma_start3A_102 = arith.constant 0 : i32
      %dma_start3A_103 = tpu.memref_slice %arg6[%run_scoped3A, %dma_start3A_101, %dma_start3A_102] : memref<2x128x256xf32, #tpu.memory_space<vmem>> -> memref<1x128x256xf32, #tpu.memory_space<vmem>>
      %dma_start3A_104 = tpu.memref_squeeze %dma_start3A_103 : memref<1x128x256xf32, #tpu.memory_space<vmem>> -> memref<128x256xf32, #tpu.memory_space<vmem>>
      tpu.enqueue_dma source(%dma_start3A_104 : memref<128x256xf32, #tpu.memory_space<vmem>>) target(%dma_start3A_100 : memref<128x256xf32, #tpu.memory_space<hbm>>) target_semaphore(%run_scoped3A_92 : memref<!tpu.dma_semaphore, #tpu.memory_space<semaphore_mem>>)
      %dma_wait3A_105 = arith.constant 0 : i32
      %dma_wait3A_106 = arith.constant 0 : i32
      %dma_wait3A_107 = tpu.memref_slice %arg6[%run_scoped3A, %dma_wait3A_105, %dma_wait3A_106] : memref<2x128x256xf32, #tpu.memory_space<vmem>> -> memref<1x128x256xf32, #tpu.memory_space<vmem>>
      %dma_wait3A_108 = tpu.memref_squeeze %dma_wait3A_107 : memref<1x128x256xf32, #tpu.memory_space<vmem>> -> memref<128x256xf32, #tpu.memory_space<vmem>>
      %dma_wait3A_109 = arith.constant 0 : i32
      %dma_wait3A_110 = tpu.memref_slice %arg4[%add3A_32, %dma_wait3A_109] : memref<16384x256xf32, #tpu.memory_space<hbm>> -> memref<128x256xf32, #tpu.memory_space<hbm>>
      %dma_wait3A_111 = arith.constant 0 : i32
      %dma_wait3A_112 = tpu.memref_slice %arg4[%add3A_32, %dma_wait3A_111] : memref<16384x256xf32, #tpu.memory_space<hbm>> -> memref<128x256xf32, #tpu.memory_space<hbm>>
      %dma_wait3A_113 = arith.constant 0 : i32
      %dma_wait3A_114 = arith.constant 0 : i32
      %dma_wait3A_115 = tpu.memref_slice %arg6[%run_scoped3A, %dma_wait3A_113, %dma_wait3A_114] : memref<2x128x256xf32, #tpu.memory_space<vmem>> -> memref<1x128x256xf32, #tpu.memory_space<vmem>>
      %dma_wait3A_116 = tpu.memref_squeeze %dma_wait3A_115 : memref<1x128x256xf32, #tpu.memory_space<vmem>> -> memref<128x256xf32, #tpu.memory_space<vmem>>
      tpu.wait_dma2 semaphore(%run_scoped3A_92 : memref<!tpu.dma_semaphore, #tpu.memory_space<semaphore_mem>>) src(%dma_wait3A_116 : memref<128x256xf32, #tpu.memory_space<vmem>>) dst(%dma_wait3A_112 : memref<128x256xf32, #tpu.memory_space<hbm>>)
      tpu.yield
    }) : () -> ()
    %dma_start3A_33 = arith.constant 0 : i32
    %dma_start3A_34 = arith.constant 0 : i32
    %dma_start3A_35 = arith.constant 0 : i32
    %dma_start3A_36 = tpu.memref_slice %arg6[%dma_start3A_33, %dma_start3A_34, %dma_start3A_35] : memref<2x128x256xf32, #tpu.memory_space<vmem>> -> memref<1x128x256xf32, #tpu.memory_space<vmem>>
    %dma_start3A_37 = tpu.memref_squeeze %dma_start3A_36 : memref<1x128x256xf32, #tpu.memory_space<vmem>> -> memref<128x256xf32, #tpu.memory_space<vmem>>
    %dma_start3A_38 = arith.constant 256 : i32
    %dma_start3A_39 = tpu.memref_slice %arg5[%dma_start3A_38] : memref<512xi32, #tpu.memory_space<vmem>> -> memref<128xi32, #tpu.memory_space<vmem>>
    %dma_start3A_40 = arith.constant 0 : i32
    %dma_start3A_41 = arith.constant 0 : i32
    %dma_start3A_42 = tpu.memref_slice %arg2[%dma_start3A_40, %dma_start3A_41] : memref<8192x256xf32, #tpu.memory_space<hbm>> -> memref<8192x256xf32, #tpu.memory_space<hbm>>
    tpu.enqueue_indirect_dma source(%dma_start3A_42 : memref<8192x256xf32, #tpu.memory_space<hbm>>) target(%dma_start3A_37 : memref<128x256xf32, #tpu.memory_space<vmem>>) offsets(%dma_start3A_39 : memref<128xi32, #tpu.memory_space<vmem>>) semaphore(%arg7 : memref<!tpu.dma_semaphore, #tpu.memory_space<semaphore_mem>>)
    %dma_wait3A_43 = arith.constant 1 : i32
    %dma_wait3A_44 = arith.constant 0 : i32
    %dma_wait3A_45 = arith.constant 0 : i32
    %dma_wait3A_46 = tpu.memref_slice %arg6[%dma_wait3A_43, %dma_wait3A_44, %dma_wait3A_45] : memref<2x128x256xf32, #tpu.memory_space<vmem>> -> memref<1x128x256xf32, #tpu.memory_space<vmem>>
    %dma_wait3A_47 = tpu.memref_squeeze %dma_wait3A_46 : memref<1x128x256xf32, #tpu.memory_space<vmem>> -> memref<128x256xf32, #tpu.memory_space<vmem>>
    %dma_wait3A_48 = arith.constant 128 : i32
    %dma_wait3A_49 = tpu.memref_slice %arg5[%dma_wait3A_48] : memref<512xi32, #tpu.memory_space<vmem>> -> memref<128xi32, #tpu.memory_space<vmem>>
    %dma_wait3A_50 = arith.constant 0 : i32
    %dma_wait3A_51 = arith.constant 0 : i32
    %dma_wait3A_52 = tpu.memref_slice %arg2[%dma_wait3A_50, %dma_wait3A_51] : memref<8192x256xf32, #tpu.memory_space<hbm>> -> memref<8192x256xf32, #tpu.memory_space<hbm>>
    tpu.wait_indirect_dma semaphore(%arg8 : memref<!tpu.dma_semaphore, #tpu.memory_space<semaphore_mem>>) src(%dma_wait3A_52 : memref<8192x256xf32, #tpu.memory_space<hbm>>) dst(%dma_wait3A_47 : memref<128x256xf32, #tpu.memory_space<vmem>>)
    %add3A_53 = arith.constant 128 : i32
    %add3A_54 = arith.addi %mul3A_2, %add3A_53 : i32
    %run_scoped3A_55 = arith.constant 1 : i32
    "tpu.region"() ({
      %run_scoped3A_92 = tpu.sem_alloc : memref<!tpu.dma_semaphore, #tpu.memory_space<semaphore_mem>>
      %dma_start3A_93 = arith.constant 0 : i32
      %dma_start3A_94 = arith.constant 0 : i32
      %dma_start3A_95 = tpu.memref_slice %arg6[%run_scoped3A_55, %dma_start3A_93, %dma_start3A_94] : memref<2x128x256xf32, #tpu.memory_space<vmem>> -> memref<1x128x256xf32, #tpu.memory_space<vmem>>
      %dma_start3A_96 = tpu.memref_squeeze %dma_start3A_95 : memref<1x128x256xf32, #tpu.memory_space<vmem>> -> memref<128x256xf32, #tpu.memory_space<vmem>>
      %dma_start3A_97 = arith.constant 0 : i32
      %dma_start3A_98 = tpu.memref_slice %arg4[%add3A_54, %dma_start3A_97] : memref<16384x256xf32, #tpu.memory_space<hbm>> -> memref<128x256xf32, #tpu.memory_space<hbm>>
      %dma_start3A_99 = arith.constant 0 : i32
      %dma_start3A_100 = tpu.memref_slice %arg4[%add3A_54, %dma_start3A_99] : memref<16384x256xf32, #tpu.memory_space<hbm>> -> memref<128x256xf32, #tpu.memory_space<hbm>>
      %dma_start3A_101 = arith.constant 0 : i32
      %dma_start3A_102 = arith.constant 0 : i32
      %dma_start3A_103 = tpu.memref_slice %arg6[%run_scoped3A_55, %dma_start3A_101, %dma_start3A_102] : memref<2x128x256xf32, #tpu.memory_space<vmem>> -> memref<1x128x256xf32, #tpu.memory_space<vmem>>
      %dma_start3A_104 = tpu.memref_squeeze %dma_start3A_103 : memref<1x128x256xf32, #tpu.memory_space<vmem>> -> memref<128x256xf32, #tpu.memory_space<vmem>>
      tpu.enqueue_dma source(%dma_start3A_104 : memref<128x256xf32, #tpu.memory_space<vmem>>) target(%dma_start3A_100 : memref<128x256xf32, #tpu.memory_space<hbm>>) target_semaphore(%run_scoped3A_92 : memref<!tpu.dma_semaphore, #tpu.memory_space<semaphore_mem>>)
      %dma_wait3A_105 = arith.constant 0 : i32
      %dma_wait3A_106 = arith.constant 0 : i32
      %dma_wait3A_107 = tpu.memref_slice %arg6[%run_scoped3A_55, %dma_wait3A_105, %dma_wait3A_106] : memref<2x128x256xf32, #tpu.memory_space<vmem>> -> memref<1x128x256xf32, #tpu.memory_space<vmem>>
      %dma_wait3A_108 = tpu.memref_squeeze %dma_wait3A_107 : memref<1x128x256xf32, #tpu.memory_space<vmem>> -> memref<128x256xf32, #tpu.memory_space<vmem>>
      %dma_wait3A_109 = arith.constant 0 : i32
      %dma_wait3A_110 = tpu.memref_slice %arg4[%add3A_54, %dma_wait3A_109] : memref<16384x256xf32, #tpu.memory_space<hbm>> -> memref<128x256xf32, #tpu.memory_space<hbm>>
      %dma_wait3A_111 = arith.constant 0 : i32
      %dma_wait3A_112 = tpu.memref_slice %arg4[%add3A_54, %dma_wait3A_111] : memref<16384x256xf32, #tpu.memory_space<hbm>> -> memref<128x256xf32, #tpu.memory_space<hbm>>
      %dma_wait3A_113 = arith.constant 0 : i32
      %dma_wait3A_114 = arith.constant 0 : i32
      %dma_wait3A_115 = tpu.memref_slice %arg6[%run_scoped3A_55, %dma_wait3A_113, %dma_wait3A_114] : memref<2x128x256xf32, #tpu.memory_space<vmem>> -> memref<1x128x256xf32, #tpu.memory_space<vmem>>
      %dma_wait3A_116 = tpu.memref_squeeze %dma_wait3A_115 : memref<1x128x256xf32, #tpu.memory_space<vmem>> -> memref<128x256xf32, #tpu.memory_space<vmem>>
      tpu.wait_dma2 semaphore(%run_scoped3A_92 : memref<!tpu.dma_semaphore, #tpu.memory_space<semaphore_mem>>) src(%dma_wait3A_116 : memref<128x256xf32, #tpu.memory_space<vmem>>) dst(%dma_wait3A_112 : memref<128x256xf32, #tpu.memory_space<hbm>>)
      tpu.yield
    }) : () -> ()
    %dma_start3A_56 = arith.constant 1 : i32
    %dma_start3A_57 = arith.constant 0 : i32
    %dma_start3A_58 = arith.constant 0 : i32
    %dma_start3A_59 = tpu.memref_slice %arg6[%dma_start3A_56, %dma_start3A_57, %dma_start3A_58] : memref<2x128x256xf32, #tpu.memory_space<vmem>> -> memref<1x128x256xf32, #tpu.memory_space<vmem>>
    %dma_start3A_60 = tpu.memref_squeeze %dma_start3A_59 : memref<1x128x256xf32, #tpu.memory_space<vmem>> -> memref<128x256xf32, #tpu.memory_space<vmem>>
    %dma_start3A_61 = arith.constant 384 : i32
    %dma_start3A_62 = tpu.memref_slice %arg5[%dma_start3A_61] : memref<512xi32, #tpu.memory_space<vmem>> -> memref<128xi32, #tpu.memory_space<vmem>>
    %dma_start3A_63 = arith.constant 0 : i32
    %dma_start3A_64 = arith.constant 0 : i32
    %dma_start3A_65 = tpu.memref_slice %arg2[%dma_start3A_63, %dma_start3A_64] : memref<8192x256xf32, #tpu.memory_space<hbm>> -> memref<8192x256xf32, #tpu.memory_space<hbm>>
    tpu.enqueue_indirect_dma source(%dma_start3A_65 : memref<8192x256xf32, #tpu.memory_space<hbm>>) target(%dma_start3A_60 : memref<128x256xf32, #tpu.memory_space<vmem>>) offsets(%dma_start3A_62 : memref<128xi32, #tpu.memory_space<vmem>>) semaphore(%arg8 : memref<!tpu.dma_semaphore, #tpu.memory_space<semaphore_mem>>)
    %dma_wait3A_66 = arith.constant 0 : i32
    %dma_wait3A_67 = arith.constant 0 : i32
    %dma_wait3A_68 = arith.constant 0 : i32
    %dma_wait3A_69 = tpu.memref_slice %arg6[%dma_wait3A_66, %dma_wait3A_67, %dma_wait3A_68] : memref<2x128x256xf32, #tpu.memory_space<vmem>> -> memref<1x128x256xf32, #tpu.memory_space<vmem>>
    %dma_wait3A_70 = tpu.memref_squeeze %dma_wait3A_69 : memref<1x128x256xf32, #tpu.memory_space<vmem>> -> memref<128x256xf32, #tpu.memory_space<vmem>>
    %dma_wait3A_71 = arith.constant 256 : i32
    %dma_wait3A_72 = tpu.memref_slice %arg5[%dma_wait3A_71] : memref<512xi32, #tpu.memory_space<vmem>> -> memref<128xi32, #tpu.memory_space<vmem>>
    %dma_wait3A_73 = arith.constant 0 : i32
    %dma_wait3A_74 = arith.constant 0 : i32
    %dma_wait3A_75 = tpu.memref_slice %arg2[%dma_wait3A_73, %dma_wait3A_74] : memref<8192x256xf32, #tpu.memory_space<hbm>> -> memref<8192x256xf32, #tpu.memory_space<hbm>>
    tpu.wait_indirect_dma semaphore(%arg7 : memref<!tpu.dma_semaphore, #tpu.memory_space<semaphore_mem>>) src(%dma_wait3A_75 : memref<8192x256xf32, #tpu.memory_space<hbm>>) dst(%dma_wait3A_70 : memref<128x256xf32, #tpu.memory_space<vmem>>)
    %add3A_76 = arith.constant 256 : i32
    %add3A_77 = arith.addi %mul3A_2, %add3A_76 : i32
    %run_scoped3A_78 = arith.constant 0 : i32
    "tpu.region"() ({
      %run_scoped3A_92 = tpu.sem_alloc : memref<!tpu.dma_semaphore, #tpu.memory_space<semaphore_mem>>
      %dma_start3A_93 = arith.constant 0 : i32
      %dma_start3A_94 = arith.constant 0 : i32
      %dma_start3A_95 = tpu.memref_slice %arg6[%run_scoped3A_78, %dma_start3A_93, %dma_start3A_94] : memref<2x128x256xf32, #tpu.memory_space<vmem>> -> memref<1x128x256xf32, #tpu.memory_space<vmem>>
      %dma_start3A_96 = tpu.memref_squeeze %dma_start3A_95 : memref<1x128x256xf32, #tpu.memory_space<vmem>> -> memref<128x256xf32, #tpu.memory_space<vmem>>
      %dma_start3A_97 = arith.constant 0 : i32
      %dma_start3A_98 = tpu.memref_slice %arg4[%add3A_77, %dma_start3A_97] : memref<16384x256xf32, #tpu.memory_space<hbm>> -> memref<128x256xf32, #tpu.memory_space<hbm>>
      %dma_start3A_99 = arith.constant 0 : i32
      %dma_start3A_100 = tpu.memref_slice %arg4[%add3A_77, %dma_start3A_99] : memref<16384x256xf32, #tpu.memory_space<hbm>> -> memref<128x256xf32, #tpu.memory_space<hbm>>
      %dma_start3A_101 = arith.constant 0 : i32
      %dma_start3A_102 = arith.constant 0 : i32
      %dma_start3A_103 = tpu.memref_slice %arg6[%run_scoped3A_78, %dma_start3A_101, %dma_start3A_102] : memref<2x128x256xf32, #tpu.memory_space<vmem>> -> memref<1x128x256xf32, #tpu.memory_space<vmem>>
      %dma_start3A_104 = tpu.memref_squeeze %dma_start3A_103 : memref<1x128x256xf32, #tpu.memory_space<vmem>> -> memref<128x256xf32, #tpu.memory_space<vmem>>
      tpu.enqueue_dma source(%dma_start3A_104 : memref<128x256xf32, #tpu.memory_space<vmem>>) target(%dma_start3A_100 : memref<128x256xf32, #tpu.memory_space<hbm>>) target_semaphore(%run_scoped3A_92 : memref<!tpu.dma_semaphore, #tpu.memory_space<semaphore_mem>>)
      %dma_wait3A_105 = arith.constant 0 : i32
      %dma_wait3A_106 = arith.constant 0 : i32
      %dma_wait3A_107 = tpu.memref_slice %arg6[%run_scoped3A_78, %dma_wait3A_105, %dma_wait3A_106] : memref<2x128x256xf32, #tpu.memory_space<vmem>> -> memref<1x128x256xf32, #tpu.memory_space<vmem>>
      %dma_wait3A_108 = tpu.memref_squeeze %dma_wait3A_107 : memref<1x128x256xf32, #tpu.memory_space<vmem>> -> memref<128x256xf32, #tpu.memory_space<vmem>>
      %dma_wait3A_109 = arith.constant 0 : i32
      %dma_wait3A_110 = tpu.memref_slice %arg4[%add3A_77, %dma_wait3A_109] : memref<16384x256xf32, #tpu.memory_space<hbm>> -> memref<128x256xf32, #tpu.memory_space<hbm>>
      %dma_wait3A_111 = arith.constant 0 : i32
      %dma_wait3A_112 = tpu.memref_slice %arg4[%add3A_77, %dma_wait3A_111] : memref<16384x256xf32, #tpu.memory_space<hbm>> -> memref<128x256xf32, #tpu.memory_space<hbm>>
      %dma_wait3A_113 = arith.constant 0 : i32
      %dma_wait3A_114 = arith.constant 0 : i32
      %dma_wait3A_115 = tpu.memref_slice %arg6[%run_scoped3A_78, %dma_wait3A_113, %dma_wait3A_114] : memref<2x128x256xf32, #tpu.memory_space<vmem>> -> memref<1x128x256xf32, #tpu.memory_space<vmem>>
      %dma_wait3A_116 = tpu.memref_squeeze %dma_wait3A_115 : memref<1x128x256xf32, #tpu.memory_space<vmem>> -> memref<128x256xf32, #tpu.memory_space<vmem>>
      tpu.wait_dma2 semaphore(%run_scoped3A_92 : memref<!tpu.dma_semaphore, #tpu.memory_space<semaphore_mem>>) src(%dma_wait3A_116 : memref<128x256xf32, #tpu.memory_space<vmem>>) dst(%dma_wait3A_112 : memref<128x256xf32, #tpu.memory_space<hbm>>)
      tpu.yield
    }) : () -> ()
    %dma_wait3A_79 = arith.constant 1 : i32
    %dma_wait3A_80 = arith.constant 0 : i32
    %dma_wait3A_81 = arith.constant 0 : i32
    %dma_wait3A_82 = tpu.memref_slice %arg6[%dma_wait3A_79, %dma_wait3A_80, %dma_wait3A_81] : memref<2x128x256xf32, #tpu.memory_space<vmem>> -> memref<1x128x256xf32, #tpu.memory_space<vmem>>
    %dma_wait3A_83 = tpu.memref_squeeze %dma_wait3A_82 : memref<1x128x256xf32, #tpu.memory_space<vmem>> -> memref<128x256xf32, #tpu.memory_space<vmem>>
    %dma_wait3A_84 = arith.constant 384 : i32
    %dma_wait3A_85 = tpu.memref_slice %arg5[%dma_wait3A_84] : memref<512xi32, #tpu.memory_space<vmem>> -> memref<128xi32, #tpu.memory_space<vmem>>
    %dma_wait3A_86 = arith.constant 0 : i32
    %dma_wait3A_87 = arith.constant 0 : i32
    %dma_wait3A_88 = tpu.memref_slice %arg2[%dma_wait3A_86, %dma_wait3A_87] : memref<8192x256xf32, #tpu.memory_space<hbm>> -> memref<8192x256xf32, #tpu.memory_space<hbm>>
    tpu.wait_indirect_dma semaphore(%arg8 : memref<!tpu.dma_semaphore, #tpu.memory_space<semaphore_mem>>) src(%dma_wait3A_88 : memref<8192x256xf32, #tpu.memory_space<hbm>>) dst(%dma_wait3A_83 : memref<128x256xf32, #tpu.memory_space<vmem>>)
    %add3A_89 = arith.constant 384 : i32
    %add3A_90 = arith.addi %mul3A_2, %add3A_89 : i32
    %run_scoped3A_91 = arith.constant 1 : i32
    "tpu.region"() ({
      %run_scoped3A_92 = tpu.sem_alloc : memref<!tpu.dma_semaphore, #tpu.memory_space<semaphore_mem>>
      %dma_start3A_93 = arith.constant 0 : i32
      %dma_start3A_94 = arith.constant 0 : i32
      %dma_start3A_95 = tpu.memref_slice %arg6[%run_scoped3A_91, %dma_start3A_93, %dma_start3A_94] : memref<2x128x256xf32, #tpu.memory_space<vmem>> -> memref<1x128x256xf32, #tpu.memory_space<vmem>>
      %dma_start3A_96 = tpu.memref_squeeze %dma_start3A_95 : memref<1x128x256xf32, #tpu.memory_space<vmem>> -> memref<128x256xf32, #tpu.memory_space<vmem>>
      %dma_start3A_97 = arith.constant 0 : i32
      %dma_start3A_98 = tpu.memref_slice %arg4[%add3A_90, %dma_start3A_97] : memref<16384x256xf32, #tpu.memory_space<hbm>> -> memref<128x256xf32, #tpu.memory_space<hbm>>
      %dma_start3A_99 = arith.constant 0 : i32
      %dma_start3A_100 = tpu.memref_slice %arg4[%add3A_90, %dma_start3A_99] : memref<16384x256xf32, #tpu.memory_space<hbm>> -> memref<128x256xf32, #tpu.memory_space<hbm>>
      %dma_start3A_101 = arith.constant 0 : i32
      %dma_start3A_102 = arith.constant 0 : i32
      %dma_start3A_103 = tpu.memref_slice %arg6[%run_scoped3A_91, %dma_start3A_101, %dma_start3A_102] : memref<2x128x256xf32, #tpu.memory_space<vmem>> -> memref<1x128x256xf32, #tpu.memory_space<vmem>>
      %dma_start3A_104 = tpu.memref_squeeze %dma_start3A_103 : memref<1x128x256xf32, #tpu.memory_space<vmem>> -> memref<128x256xf32, #tpu.memory_space<vmem>>
      tpu.enqueue_dma source(%dma_start3A_104 : memref<128x256xf32, #tpu.memory_space<vmem>>) target(%dma_start3A_100 : memref<128x256xf32, #tpu.memory_space<hbm>>) target_semaphore(%run_scoped3A_92 : memref<!tpu.dma_semaphore, #tpu.memory_space<semaphore_mem>>)
      %dma_wait3A_105 = arith.constant 0 : i32
      %dma_wait3A_106 = arith.constant 0 : i32
      %dma_wait3A_107 = tpu.memref_slice %arg6[%run_scoped3A_91, %dma_wait3A_105, %dma_wait3A_106] : memref<2x128x256xf32, #tpu.memory_space<vmem>> -> memref<1x128x256xf32, #tpu.memory_space<vmem>>
      %dma_wait3A_108 = tpu.memref_squeeze %dma_wait3A_107 : memref<1x128x256xf32, #tpu.memory_space<vmem>> -> memref<128x256xf32, #tpu.memory_space<vmem>>
      %dma_wait3A_109 = arith.constant 0 : i32
      %dma_wait3A_110 = tpu.memref_slice %arg4[%add3A_90, %dma_wait3A_109] : memref<16384x256xf32, #tpu.memory_space<hbm>> -> memref<128x256xf32, #tpu.memory_space<hbm>>
      %dma_wait3A_111 = arith.constant 0 : i32
      %dma_wait3A_112 = tpu.memref_slice %arg4[%add3A_90, %dma_wait3A_111] : memref<16384x256xf32, #tpu.memory_space<hbm>> -> memref<128x256xf32, #tpu.memory_space<hbm>>
      %dma_wait3A_113 = arith.constant 0 : i32
      %dma_wait3A_114 = arith.constant 0 : i32
      %dma_wait3A_115 = tpu.memref_slice %arg6[%run_scoped3A_91, %dma_wait3A_113, %dma_wait3A_114] : memref<2x128x256xf32, #tpu.memory_space<vmem>> -> memref<1x128x256xf32, #tpu.memory_space<vmem>>
      %dma_wait3A_116 = tpu.memref_squeeze %dma_wait3A_115 : memref<1x128x256xf32, #tpu.memory_space<vmem>> -> memref<128x256xf32, #tpu.memory_space<vmem>>
      tpu.wait_dma2 semaphore(%run_scoped3A_92 : memref<!tpu.dma_semaphore, #tpu.memory_space<semaphore_mem>>) src(%dma_wait3A_116 : memref<128x256xf32, #tpu.memory_space<vmem>>) dst(%dma_wait3A_112 : memref<128x256xf32, #tpu.memory_space<hbm>>)
      tpu.yield
    }) : () -> ()
    return
  }
}

module attributes {stable_mosaic.version = 14 : i64} {
  func.func @_argmax_body(%arg0: i32, %arg1: memref<1024x256xf32, #tpu.memory_space<vmem>>, %arg2: memref<8192x256xf32, #tpu.memory_space<vmem>>, %arg3: memref<1x1x1024xi32, #tpu.memory_space<vmem>>) attributes {dimension_semantics = [#tpu.dimension_semantics<arbitrary>], iteration_bounds = array<i64: 16>, scalar_prefetch = 0 : i64, scratch_operands = 0 : i64, tpu.core_type = #tpu.core_type<tc>, window_params = [{transform_indices = @transform_0, window_bounds = array<i64: 1024, 256>}, {pipeline_mode = #tpu.pipeline_mode<synchronous>, transform_indices = @transform_1, window_bounds = array<i64: 8192, 256>}, {transform_indices = @transform_2, window_bounds = array<i64: 1, 1, 1024>}]} {
    %get3A = arith.constant 0 : index
    %get3A_0 = arith.constant 0 : index
    %get3A_1 = vector.load %arg1[%get3A, %get3A_0] : memref<1024x256xf32, #tpu.memory_space<vmem>>, vector<1024x256xf32>
    %iota3A = tpu.iota {dimensions = array<i32: 1>} : vector<1024x128xi32>
    %get3A_2 = arith.constant 0 : index
    %get3A_3 = arith.constant 0 : index
    %get3A_4 = vector.load %arg2[%get3A_2, %get3A_3] : memref<8192x256xf32, #tpu.memory_space<vmem>>, vector<2816x256xf32>
    %dot_general3A = arith.constant dense<0.000000e+00> : vector<1024x2816xf32>
    %dot_general3A_5 = tpu.matmul %get3A_1, %get3A_4, %dot_general3A {dimension_numbers = #tpu.dot_dimension_numbers<[1], [1], [0], [0], [0, 0, 1, 0], [], []>, transpose_lhs_hint = false} : vector<1024x256xf32>, vector<2816x256xf32>, vector<1024x2816xf32> -> vector<1024x2816xf32>
    %slice3A = vector.extract_strided_slice %dot_general3A_5 {offsets = [0, 0], sizes = [1024, 128], strides = [1, 1]} : vector<1024x2816xf32> to vector<1024x128xf32>
    %add3A = arith.constant 0 : i32
    %add3A_6 = vector.broadcast %add3A : i32 to vector<1024x128xi32>
    %add3A_7 = arith.addi %iota3A, %add3A_6 : vector<1024x128xi32>
    %slice3A_8 = vector.extract_strided_slice %dot_general3A_5 {offsets = [0, 128], sizes = [1024, 128], strides = [1, 1]} : vector<1024x2816xf32> to vector<1024x128xf32>
    %gt3A = arith.cmpf ogt, %slice3A_8, %slice3A : vector<1024x128xf32>
    %max3A = arith.maximumf %slice3A, %slice3A_8 : vector<1024x128xf32>
    %add3A_9 = arith.constant 128 : i32
    %add3A_10 = vector.broadcast %add3A_9 : i32 to vector<1024x128xi32>
    %add3A_11 = arith.addi %iota3A, %add3A_10 : vector<1024x128xi32>
    %select_n3A = arith.select %gt3A, %add3A_11, %add3A_7 : vector<1024x128xi1>, vector<1024x128xi32>
    %slice3A_12 = vector.extract_strided_slice %dot_general3A_5 {offsets = [0, 256], sizes = [1024, 128], strides = [1, 1]} : vector<1024x2816xf32> to vector<1024x128xf32>
    %gt3A_13 = arith.cmpf ogt, %slice3A_12, %max3A : vector<1024x128xf32>
    %max3A_14 = arith.maximumf %max3A, %slice3A_12 : vector<1024x128xf32>
    %add3A_15 = arith.constant 256 : i32
    %add3A_16 = vector.broadcast %add3A_15 : i32 to vector<1024x128xi32>
    %add3A_17 = arith.addi %iota3A, %add3A_16 : vector<1024x128xi32>
    %select_n3A_18 = arith.select %gt3A_13, %add3A_17, %select_n3A : vector<1024x128xi1>, vector<1024x128xi32>
    %slice3A_19 = vector.extract_strided_slice %dot_general3A_5 {offsets = [0, 384], sizes = [1024, 128], strides = [1, 1]} : vector<1024x2816xf32> to vector<1024x128xf32>
    %gt3A_20 = arith.cmpf ogt, %slice3A_19, %max3A_14 : vector<1024x128xf32>
    %max3A_21 = arith.maximumf %max3A_14, %slice3A_19 : vector<1024x128xf32>
    %add3A_22 = arith.constant 384 : i32
    %add3A_23 = vector.broadcast %add3A_22 : i32 to vector<1024x128xi32>
    %add3A_24 = arith.addi %iota3A, %add3A_23 : vector<1024x128xi32>
    %select_n3A_25 = arith.select %gt3A_20, %add3A_24, %select_n3A_18 : vector<1024x128xi1>, vector<1024x128xi32>
    %slice3A_26 = vector.extract_strided_slice %dot_general3A_5 {offsets = [0, 512], sizes = [1024, 128], strides = [1, 1]} : vector<1024x2816xf32> to vector<1024x128xf32>
    %gt3A_27 = arith.cmpf ogt, %slice3A_26, %max3A_21 : vector<1024x128xf32>
    %max3A_28 = arith.maximumf %max3A_21, %slice3A_26 : vector<1024x128xf32>
    %add3A_29 = arith.constant 512 : i32
    %add3A_30 = vector.broadcast %add3A_29 : i32 to vector<1024x128xi32>
    %add3A_31 = arith.addi %iota3A, %add3A_30 : vector<1024x128xi32>
    %select_n3A_32 = arith.select %gt3A_27, %add3A_31, %select_n3A_25 : vector<1024x128xi1>, vector<1024x128xi32>
    %slice3A_33 = vector.extract_strided_slice %dot_general3A_5 {offsets = [0, 640], sizes = [1024, 128], strides = [1, 1]} : vector<1024x2816xf32> to vector<1024x128xf32>
    %gt3A_34 = arith.cmpf ogt, %slice3A_33, %max3A_28 : vector<1024x128xf32>
    %max3A_35 = arith.maximumf %max3A_28, %slice3A_33 : vector<1024x128xf32>
    %add3A_36 = arith.constant 640 : i32
    %add3A_37 = vector.broadcast %add3A_36 : i32 to vector<1024x128xi32>
    %add3A_38 = arith.addi %iota3A, %add3A_37 : vector<1024x128xi32>
    %select_n3A_39 = arith.select %gt3A_34, %add3A_38, %select_n3A_32 : vector<1024x128xi1>, vector<1024x128xi32>
    %slice3A_40 = vector.extract_strided_slice %dot_general3A_5 {offsets = [0, 768], sizes = [1024, 128], strides = [1, 1]} : vector<1024x2816xf32> to vector<1024x128xf32>
    %gt3A_41 = arith.cmpf ogt, %slice3A_40, %max3A_35 : vector<1024x128xf32>
    %max3A_42 = arith.maximumf %max3A_35, %slice3A_40 : vector<1024x128xf32>
    %add3A_43 = arith.constant 768 : i32
    %add3A_44 = vector.broadcast %add3A_43 : i32 to vector<1024x128xi32>
    %add3A_45 = arith.addi %iota3A, %add3A_44 : vector<1024x128xi32>
    %select_n3A_46 = arith.select %gt3A_41, %add3A_45, %select_n3A_39 : vector<1024x128xi1>, vector<1024x128xi32>
    %slice3A_47 = vector.extract_strided_slice %dot_general3A_5 {offsets = [0, 896], sizes = [1024, 128], strides = [1, 1]} : vector<1024x2816xf32> to vector<1024x128xf32>
    %gt3A_48 = arith.cmpf ogt, %slice3A_47, %max3A_42 : vector<1024x128xf32>
    %max3A_49 = arith.maximumf %max3A_42, %slice3A_47 : vector<1024x128xf32>
    %add3A_50 = arith.constant 896 : i32
    %add3A_51 = vector.broadcast %add3A_50 : i32 to vector<1024x128xi32>
    %add3A_52 = arith.addi %iota3A, %add3A_51 : vector<1024x128xi32>
    %select_n3A_53 = arith.select %gt3A_48, %add3A_52, %select_n3A_46 : vector<1024x128xi1>, vector<1024x128xi32>
    %slice3A_54 = vector.extract_strided_slice %dot_general3A_5 {offsets = [0, 1024], sizes = [1024, 128], strides = [1, 1]} : vector<1024x2816xf32> to vector<1024x128xf32>
    %gt3A_55 = arith.cmpf ogt, %slice3A_54, %max3A_49 : vector<1024x128xf32>
    %max3A_56 = arith.maximumf %max3A_49, %slice3A_54 : vector<1024x128xf32>
    %add3A_57 = arith.constant 1024 : i32
    %add3A_58 = vector.broadcast %add3A_57 : i32 to vector<1024x128xi32>
    %add3A_59 = arith.addi %iota3A, %add3A_58 : vector<1024x128xi32>
    %select_n3A_60 = arith.select %gt3A_55, %add3A_59, %select_n3A_53 : vector<1024x128xi1>, vector<1024x128xi32>
    %slice3A_61 = vector.extract_strided_slice %dot_general3A_5 {offsets = [0, 1152], sizes = [1024, 128], strides = [1, 1]} : vector<1024x2816xf32> to vector<1024x128xf32>
    %gt3A_62 = arith.cmpf ogt, %slice3A_61, %max3A_56 : vector<1024x128xf32>
    %max3A_63 = arith.maximumf %max3A_56, %slice3A_61 : vector<1024x128xf32>
    %add3A_64 = arith.constant 1152 : i32
    %add3A_65 = vector.broadcast %add3A_64 : i32 to vector<1024x128xi32>
    %add3A_66 = arith.addi %iota3A, %add3A_65 : vector<1024x128xi32>
    %select_n3A_67 = arith.select %gt3A_62, %add3A_66, %select_n3A_60 : vector<1024x128xi1>, vector<1024x128xi32>
    %slice3A_68 = vector.extract_strided_slice %dot_general3A_5 {offsets = [0, 1280], sizes = [1024, 128], strides = [1, 1]} : vector<1024x2816xf32> to vector<1024x128xf32>
    %gt3A_69 = arith.cmpf ogt, %slice3A_68, %max3A_63 : vector<1024x128xf32>
    %max3A_70 = arith.maximumf %max3A_63, %slice3A_68 : vector<1024x128xf32>
    %add3A_71 = arith.constant 1280 : i32
    %add3A_72 = vector.broadcast %add3A_71 : i32 to vector<1024x128xi32>
    %add3A_73 = arith.addi %iota3A, %add3A_72 : vector<1024x128xi32>
    %select_n3A_74 = arith.select %gt3A_69, %add3A_73, %select_n3A_67 : vector<1024x128xi1>, vector<1024x128xi32>
    %slice3A_75 = vector.extract_strided_slice %dot_general3A_5 {offsets = [0, 1408], sizes = [1024, 128], strides = [1, 1]} : vector<1024x2816xf32> to vector<1024x128xf32>
    %gt3A_76 = arith.cmpf ogt, %slice3A_75, %max3A_70 : vector<1024x128xf32>
    %max3A_77 = arith.maximumf %max3A_70, %slice3A_75 : vector<1024x128xf32>
    %add3A_78 = arith.constant 1408 : i32
    %add3A_79 = vector.broadcast %add3A_78 : i32 to vector<1024x128xi32>
    %add3A_80 = arith.addi %iota3A, %add3A_79 : vector<1024x128xi32>
    %select_n3A_81 = arith.select %gt3A_76, %add3A_80, %select_n3A_74 : vector<1024x128xi1>, vector<1024x128xi32>
    %slice3A_82 = vector.extract_strided_slice %dot_general3A_5 {offsets = [0, 1536], sizes = [1024, 128], strides = [1, 1]} : vector<1024x2816xf32> to vector<1024x128xf32>
    %gt3A_83 = arith.cmpf ogt, %slice3A_82, %max3A_77 : vector<1024x128xf32>
    %max3A_84 = arith.maximumf %max3A_77, %slice3A_82 : vector<1024x128xf32>
    %add3A_85 = arith.constant 1536 : i32
    %add3A_86 = vector.broadcast %add3A_85 : i32 to vector<1024x128xi32>
    %add3A_87 = arith.addi %iota3A, %add3A_86 : vector<1024x128xi32>
    %select_n3A_88 = arith.select %gt3A_83, %add3A_87, %select_n3A_81 : vector<1024x128xi1>, vector<1024x128xi32>
    %slice3A_89 = vector.extract_strided_slice %dot_general3A_5 {offsets = [0, 1664], sizes = [1024, 128], strides = [1, 1]} : vector<1024x2816xf32> to vector<1024x128xf32>
    %gt3A_90 = arith.cmpf ogt, %slice3A_89, %max3A_84 : vector<1024x128xf32>
    %max3A_91 = arith.maximumf %max3A_84, %slice3A_89 : vector<1024x128xf32>
    %add3A_92 = arith.constant 1664 : i32
    %add3A_93 = vector.broadcast %add3A_92 : i32 to vector<1024x128xi32>
    %add3A_94 = arith.addi %iota3A, %add3A_93 : vector<1024x128xi32>
    %select_n3A_95 = arith.select %gt3A_90, %add3A_94, %select_n3A_88 : vector<1024x128xi1>, vector<1024x128xi32>
    %slice3A_96 = vector.extract_strided_slice %dot_general3A_5 {offsets = [0, 1792], sizes = [1024, 128], strides = [1, 1]} : vector<1024x2816xf32> to vector<1024x128xf32>
    %gt3A_97 = arith.cmpf ogt, %slice3A_96, %max3A_91 : vector<1024x128xf32>
    %max3A_98 = arith.maximumf %max3A_91, %slice3A_96 : vector<1024x128xf32>
    %add3A_99 = arith.constant 1792 : i32
    %add3A_100 = vector.broadcast %add3A_99 : i32 to vector<1024x128xi32>
    %add3A_101 = arith.addi %iota3A, %add3A_100 : vector<1024x128xi32>
    %select_n3A_102 = arith.select %gt3A_97, %add3A_101, %select_n3A_95 : vector<1024x128xi1>, vector<1024x128xi32>
    %slice3A_103 = vector.extract_strided_slice %dot_general3A_5 {offsets = [0, 1920], sizes = [1024, 128], strides = [1, 1]} : vector<1024x2816xf32> to vector<1024x128xf32>
    %gt3A_104 = arith.cmpf ogt, %slice3A_103, %max3A_98 : vector<1024x128xf32>
    %max3A_105 = arith.maximumf %max3A_98, %slice3A_103 : vector<1024x128xf32>
    %add3A_106 = arith.constant 1920 : i32
    %add3A_107 = vector.broadcast %add3A_106 : i32 to vector<1024x128xi32>
    %add3A_108 = arith.addi %iota3A, %add3A_107 : vector<1024x128xi32>
    %select_n3A_109 = arith.select %gt3A_104, %add3A_108, %select_n3A_102 : vector<1024x128xi1>, vector<1024x128xi32>
    %slice3A_110 = vector.extract_strided_slice %dot_general3A_5 {offsets = [0, 2048], sizes = [1024, 128], strides = [1, 1]} : vector<1024x2816xf32> to vector<1024x128xf32>
    %gt3A_111 = arith.cmpf ogt, %slice3A_110, %max3A_105 : vector<1024x128xf32>
    %max3A_112 = arith.maximumf %max3A_105, %slice3A_110 : vector<1024x128xf32>
    %add3A_113 = arith.constant 2048 : i32
    %add3A_114 = vector.broadcast %add3A_113 : i32 to vector<1024x128xi32>
    %add3A_115 = arith.addi %iota3A, %add3A_114 : vector<1024x128xi32>
    %select_n3A_116 = arith.select %gt3A_111, %add3A_115, %select_n3A_109 : vector<1024x128xi1>, vector<1024x128xi32>
    %slice3A_117 = vector.extract_strided_slice %dot_general3A_5 {offsets = [0, 2176], sizes = [1024, 128], strides = [1, 1]} : vector<1024x2816xf32> to vector<1024x128xf32>
    %gt3A_118 = arith.cmpf ogt, %slice3A_117, %max3A_112 : vector<1024x128xf32>
    %max3A_119 = arith.maximumf %max3A_112, %slice3A_117 : vector<1024x128xf32>
    %add3A_120 = arith.constant 2176 : i32
    %add3A_121 = vector.broadcast %add3A_120 : i32 to vector<1024x128xi32>
    %add3A_122 = arith.addi %iota3A, %add3A_121 : vector<1024x128xi32>
    %select_n3A_123 = arith.select %gt3A_118, %add3A_122, %select_n3A_116 : vector<1024x128xi1>, vector<1024x128xi32>
    %slice3A_124 = vector.extract_strided_slice %dot_general3A_5 {offsets = [0, 2304], sizes = [1024, 128], strides = [1, 1]} : vector<1024x2816xf32> to vector<1024x128xf32>
    %gt3A_125 = arith.cmpf ogt, %slice3A_124, %max3A_119 : vector<1024x128xf32>
    %max3A_126 = arith.maximumf %max3A_119, %slice3A_124 : vector<1024x128xf32>
    %add3A_127 = arith.constant 2304 : i32
    %add3A_128 = vector.broadcast %add3A_127 : i32 to vector<1024x128xi32>
    %add3A_129 = arith.addi %iota3A, %add3A_128 : vector<1024x128xi32>
    %select_n3A_130 = arith.select %gt3A_125, %add3A_129, %select_n3A_123 : vector<1024x128xi1>, vector<1024x128xi32>
    %slice3A_131 = vector.extract_strided_slice %dot_general3A_5 {offsets = [0, 2432], sizes = [1024, 128], strides = [1, 1]} : vector<1024x2816xf32> to vector<1024x128xf32>
    %gt3A_132 = arith.cmpf ogt, %slice3A_131, %max3A_126 : vector<1024x128xf32>
    %max3A_133 = arith.maximumf %max3A_126, %slice3A_131 : vector<1024x128xf32>
    %add3A_134 = arith.constant 2432 : i32
    %add3A_135 = vector.broadcast %add3A_134 : i32 to vector<1024x128xi32>
    %add3A_136 = arith.addi %iota3A, %add3A_135 : vector<1024x128xi32>
    %select_n3A_137 = arith.select %gt3A_132, %add3A_136, %select_n3A_130 : vector<1024x128xi1>, vector<1024x128xi32>
    %slice3A_138 = vector.extract_strided_slice %dot_general3A_5 {offsets = [0, 2560], sizes = [1024, 128], strides = [1, 1]} : vector<1024x2816xf32> to vector<1024x128xf32>
    %gt3A_139 = arith.cmpf ogt, %slice3A_138, %max3A_133 : vector<1024x128xf32>
    %max3A_140 = arith.maximumf %max3A_133, %slice3A_138 : vector<1024x128xf32>
    %add3A_141 = arith.constant 2560 : i32
    %add3A_142 = vector.broadcast %add3A_141 : i32 to vector<1024x128xi32>
    %add3A_143 = arith.addi %iota3A, %add3A_142 : vector<1024x128xi32>
    %select_n3A_144 = arith.select %gt3A_139, %add3A_143, %select_n3A_137 : vector<1024x128xi1>, vector<1024x128xi32>
    %slice3A_145 = vector.extract_strided_slice %dot_general3A_5 {offsets = [0, 2688], sizes = [1024, 128], strides = [1, 1]} : vector<1024x2816xf32> to vector<1024x128xf32>
    %gt3A_146 = arith.cmpf ogt, %slice3A_145, %max3A_140 : vector<1024x128xf32>
    %max3A_147 = arith.maximumf %max3A_140, %slice3A_145 : vector<1024x128xf32>
    %add3A_148 = arith.constant 2688 : i32
    %add3A_149 = vector.broadcast %add3A_148 : i32 to vector<1024x128xi32>
    %add3A_150 = arith.addi %iota3A, %add3A_149 : vector<1024x128xi32>
    %select_n3A_151 = arith.select %gt3A_146, %add3A_150, %select_n3A_144 : vector<1024x128xi1>, vector<1024x128xi32>
    %reduce_max3A = arith.constant dense<0xFF800000> : vector<1024xf32>
    %reduce_max3A_152 = vector.multi_reduction <maximumf>, %max3A_147, %reduce_max3A [1] : vector<1024x128xf32> to vector<1024xf32>
    %broadcast_in_dim3A = vector.shape_cast %reduce_max3A_152 : vector<1024xf32> to vector<1024x1xf32>
    %eq3A = vector.broadcast %broadcast_in_dim3A : vector<1024x1xf32> to vector<1024x128xf32>
    %eq3A_153 = arith.cmpf oeq, %max3A_147, %eq3A : vector<1024x128xf32>
    %jit3A = arith.constant 8192 : i32
    %broadcast_in_dim3A_154 = vector.broadcast %jit3A : i32 to vector<1024x128xi32>
    %select_n3A_155 = arith.select %eq3A_153, %select_n3A_151, %broadcast_in_dim3A_154 : vector<1024x128xi1>, vector<1024x128xi32>
    %reduce_min3A = arith.constant dense<2147483647> : vector<1024xi32>
    %reduce_min3A_156 = vector.multi_reduction <minsi>, %select_n3A_155, %reduce_min3A [1] : vector<1024x128xi32> to vector<1024xi32>
    %broadcast_in_dim3A_157 = vector.shape_cast %reduce_min3A_156 : vector<1024xi32> to vector<1024x1xi32>
    %get3A_158 = arith.constant 2816 : index
    %get3A_159 = arith.constant 0 : index
    %get3A_160 = vector.load %arg2[%get3A_158, %get3A_159] : memref<8192x256xf32, #tpu.memory_space<vmem>>, vector<2816x256xf32>
    %dot_general3A_161 = arith.constant dense<0.000000e+00> : vector<1024x2816xf32>
    %dot_general3A_162 = tpu.matmul %get3A_1, %get3A_160, %dot_general3A_161 {dimension_numbers = #tpu.dot_dimension_numbers<[1], [1], [0], [0], [0, 0, 1, 0], [], []>, transpose_lhs_hint = false} : vector<1024x256xf32>, vector<2816x256xf32>, vector<1024x2816xf32> -> vector<1024x2816xf32>
    %slice3A_163 = vector.extract_strided_slice %dot_general3A_162 {offsets = [0, 0], sizes = [1024, 128], strides = [1, 1]} : vector<1024x2816xf32> to vector<1024x128xf32>
    %add3A_164 = arith.constant 2816 : i32
    %add3A_165 = vector.broadcast %add3A_164 : i32 to vector<1024x128xi32>
    %add3A_166 = arith.addi %iota3A, %add3A_165 : vector<1024x128xi32>
    %slice3A_167 = vector.extract_strided_slice %dot_general3A_162 {offsets = [0, 128], sizes = [1024, 128], strides = [1, 1]} : vector<1024x2816xf32> to vector<1024x128xf32>
    %gt3A_168 = arith.cmpf ogt, %slice3A_167, %slice3A_163 : vector<1024x128xf32>
    %max3A_169 = arith.maximumf %slice3A_163, %slice3A_167 : vector<1024x128xf32>
    %add3A_170 = arith.constant 2944 : i32
    %add3A_171 = vector.broadcast %add3A_170 : i32 to vector<1024x128xi32>
    %add3A_172 = arith.addi %iota3A, %add3A_171 : vector<1024x128xi32>
    %select_n3A_173 = arith.select %gt3A_168, %add3A_172, %add3A_166 : vector<1024x128xi1>, vector<1024x128xi32>
    %slice3A_174 = vector.extract_strided_slice %dot_general3A_162 {offsets = [0, 256], sizes = [1024, 128], strides = [1, 1]} : vector<1024x2816xf32> to vector<1024x128xf32>
    %gt3A_175 = arith.cmpf ogt, %slice3A_174, %max3A_169 : vector<1024x128xf32>
    %max3A_176 = arith.maximumf %max3A_169, %slice3A_174 : vector<1024x128xf32>
    %add3A_177 = arith.constant 3072 : i32
    %add3A_178 = vector.broadcast %add3A_177 : i32 to vector<1024x128xi32>
    %add3A_179 = arith.addi %iota3A, %add3A_178 : vector<1024x128xi32>
    %select_n3A_180 = arith.select %gt3A_175, %add3A_179, %select_n3A_173 : vector<1024x128xi1>, vector<1024x128xi32>
    %slice3A_181 = vector.extract_strided_slice %dot_general3A_162 {offsets = [0, 384], sizes = [1024, 128], strides = [1, 1]} : vector<1024x2816xf32> to vector<1024x128xf32>
    %gt3A_182 = arith.cmpf ogt, %slice3A_181, %max3A_176 : vector<1024x128xf32>
    %max3A_183 = arith.maximumf %max3A_176, %slice3A_181 : vector<1024x128xf32>
    %add3A_184 = arith.constant 3200 : i32
    %add3A_185 = vector.broadcast %add3A_184 : i32 to vector<1024x128xi32>
    %add3A_186 = arith.addi %iota3A, %add3A_185 : vector<1024x128xi32>
    %select_n3A_187 = arith.select %gt3A_182, %add3A_186, %select_n3A_180 : vector<1024x128xi1>, vector<1024x128xi32>
    %slice3A_188 = vector.extract_strided_slice %dot_general3A_162 {offsets = [0, 512], sizes = [1024, 128], strides = [1, 1]} : vector<1024x2816xf32> to vector<1024x128xf32>
    %gt3A_189 = arith.cmpf ogt, %slice3A_188, %max3A_183 : vector<1024x128xf32>
    %max3A_190 = arith.maximumf %max3A_183, %slice3A_188 : vector<1024x128xf32>
    %add3A_191 = arith.constant 3328 : i32
    %add3A_192 = vector.broadcast %add3A_191 : i32 to vector<1024x128xi32>
    %add3A_193 = arith.addi %iota3A, %add3A_192 : vector<1024x128xi32>
    %select_n3A_194 = arith.select %gt3A_189, %add3A_193, %select_n3A_187 : vector<1024x128xi1>, vector<1024x128xi32>
    %slice3A_195 = vector.extract_strided_slice %dot_general3A_162 {offsets = [0, 640], sizes = [1024, 128], strides = [1, 1]} : vector<1024x2816xf32> to vector<1024x128xf32>
    %gt3A_196 = arith.cmpf ogt, %slice3A_195, %max3A_190 : vector<1024x128xf32>
    %max3A_197 = arith.maximumf %max3A_190, %slice3A_195 : vector<1024x128xf32>
    %add3A_198 = arith.constant 3456 : i32
    %add3A_199 = vector.broadcast %add3A_198 : i32 to vector<1024x128xi32>
    %add3A_200 = arith.addi %iota3A, %add3A_199 : vector<1024x128xi32>
    %select_n3A_201 = arith.select %gt3A_196, %add3A_200, %select_n3A_194 : vector<1024x128xi1>, vector<1024x128xi32>
    %slice3A_202 = vector.extract_strided_slice %dot_general3A_162 {offsets = [0, 768], sizes = [1024, 128], strides = [1, 1]} : vector<1024x2816xf32> to vector<1024x128xf32>
    %gt3A_203 = arith.cmpf ogt, %slice3A_202, %max3A_197 : vector<1024x128xf32>
    %max3A_204 = arith.maximumf %max3A_197, %slice3A_202 : vector<1024x128xf32>
    %add3A_205 = arith.constant 3584 : i32
    %add3A_206 = vector.broadcast %add3A_205 : i32 to vector<1024x128xi32>
    %add3A_207 = arith.addi %iota3A, %add3A_206 : vector<1024x128xi32>
    %select_n3A_208 = arith.select %gt3A_203, %add3A_207, %select_n3A_201 : vector<1024x128xi1>, vector<1024x128xi32>
    %slice3A_209 = vector.extract_strided_slice %dot_general3A_162 {offsets = [0, 896], sizes = [1024, 128], strides = [1, 1]} : vector<1024x2816xf32> to vector<1024x128xf32>
    %gt3A_210 = arith.cmpf ogt, %slice3A_209, %max3A_204 : vector<1024x128xf32>
    %max3A_211 = arith.maximumf %max3A_204, %slice3A_209 : vector<1024x128xf32>
    %add3A_212 = arith.constant 3712 : i32
    %add3A_213 = vector.broadcast %add3A_212 : i32 to vector<1024x128xi32>
    %add3A_214 = arith.addi %iota3A, %add3A_213 : vector<1024x128xi32>
    %select_n3A_215 = arith.select %gt3A_210, %add3A_214, %select_n3A_208 : vector<1024x128xi1>, vector<1024x128xi32>
    %slice3A_216 = vector.extract_strided_slice %dot_general3A_162 {offsets = [0, 1024], sizes = [1024, 128], strides = [1, 1]} : vector<1024x2816xf32> to vector<1024x128xf32>
    %gt3A_217 = arith.cmpf ogt, %slice3A_216, %max3A_211 : vector<1024x128xf32>
    %max3A_218 = arith.maximumf %max3A_211, %slice3A_216 : vector<1024x128xf32>
    %add3A_219 = arith.constant 3840 : i32
    %add3A_220 = vector.broadcast %add3A_219 : i32 to vector<1024x128xi32>
    %add3A_221 = arith.addi %iota3A, %add3A_220 : vector<1024x128xi32>
    %select_n3A_222 = arith.select %gt3A_217, %add3A_221, %select_n3A_215 : vector<1024x128xi1>, vector<1024x128xi32>
    %slice3A_223 = vector.extract_strided_slice %dot_general3A_162 {offsets = [0, 1152], sizes = [1024, 128], strides = [1, 1]} : vector<1024x2816xf32> to vector<1024x128xf32>
    %gt3A_224 = arith.cmpf ogt, %slice3A_223, %max3A_218 : vector<1024x128xf32>
    %max3A_225 = arith.maximumf %max3A_218, %slice3A_223 : vector<1024x128xf32>
    %add3A_226 = arith.constant 3968 : i32
    %add3A_227 = vector.broadcast %add3A_226 : i32 to vector<1024x128xi32>
    %add3A_228 = arith.addi %iota3A, %add3A_227 : vector<1024x128xi32>
    %select_n3A_229 = arith.select %gt3A_224, %add3A_228, %select_n3A_222 : vector<1024x128xi1>, vector<1024x128xi32>
    %slice3A_230 = vector.extract_strided_slice %dot_general3A_162 {offsets = [0, 1280], sizes = [1024, 128], strides = [1, 1]} : vector<1024x2816xf32> to vector<1024x128xf32>
    %gt3A_231 = arith.cmpf ogt, %slice3A_230, %max3A_225 : vector<1024x128xf32>
    %max3A_232 = arith.maximumf %max3A_225, %slice3A_230 : vector<1024x128xf32>
    %add3A_233 = arith.constant 4096 : i32
    %add3A_234 = vector.broadcast %add3A_233 : i32 to vector<1024x128xi32>
    %add3A_235 = arith.addi %iota3A, %add3A_234 : vector<1024x128xi32>
    %select_n3A_236 = arith.select %gt3A_231, %add3A_235, %select_n3A_229 : vector<1024x128xi1>, vector<1024x128xi32>
    %slice3A_237 = vector.extract_strided_slice %dot_general3A_162 {offsets = [0, 1408], sizes = [1024, 128], strides = [1, 1]} : vector<1024x2816xf32> to vector<1024x128xf32>
    %gt3A_238 = arith.cmpf ogt, %slice3A_237, %max3A_232 : vector<1024x128xf32>
    %max3A_239 = arith.maximumf %max3A_232, %slice3A_237 : vector<1024x128xf32>
    %add3A_240 = arith.constant 4224 : i32
    %add3A_241 = vector.broadcast %add3A_240 : i32 to vector<1024x128xi32>
    %add3A_242 = arith.addi %iota3A, %add3A_241 : vector<1024x128xi32>
    %select_n3A_243 = arith.select %gt3A_238, %add3A_242, %select_n3A_236 : vector<1024x128xi1>, vector<1024x128xi32>
    %slice3A_244 = vector.extract_strided_slice %dot_general3A_162 {offsets = [0, 1536], sizes = [1024, 128], strides = [1, 1]} : vector<1024x2816xf32> to vector<1024x128xf32>
    %gt3A_245 = arith.cmpf ogt, %slice3A_244, %max3A_239 : vector<1024x128xf32>
    %max3A_246 = arith.maximumf %max3A_239, %slice3A_244 : vector<1024x128xf32>
    %add3A_247 = arith.constant 4352 : i32
    %add3A_248 = vector.broadcast %add3A_247 : i32 to vector<1024x128xi32>
    %add3A_249 = arith.addi %iota3A, %add3A_248 : vector<1024x128xi32>
    %select_n3A_250 = arith.select %gt3A_245, %add3A_249, %select_n3A_243 : vector<1024x128xi1>, vector<1024x128xi32>
    %slice3A_251 = vector.extract_strided_slice %dot_general3A_162 {offsets = [0, 1664], sizes = [1024, 128], strides = [1, 1]} : vector<1024x2816xf32> to vector<1024x128xf32>
    %gt3A_252 = arith.cmpf ogt, %slice3A_251, %max3A_246 : vector<1024x128xf32>
    %max3A_253 = arith.maximumf %max3A_246, %slice3A_251 : vector<1024x128xf32>
    %add3A_254 = arith.constant 4480 : i32
    %add3A_255 = vector.broadcast %add3A_254 : i32 to vector<1024x128xi32>
    %add3A_256 = arith.addi %iota3A, %add3A_255 : vector<1024x128xi32>
    %select_n3A_257 = arith.select %gt3A_252, %add3A_256, %select_n3A_250 : vector<1024x128xi1>, vector<1024x128xi32>
    %slice3A_258 = vector.extract_strided_slice %dot_general3A_162 {offsets = [0, 1792], sizes = [1024, 128], strides = [1, 1]} : vector<1024x2816xf32> to vector<1024x128xf32>
    %gt3A_259 = arith.cmpf ogt, %slice3A_258, %max3A_253 : vector<1024x128xf32>
    %max3A_260 = arith.maximumf %max3A_253, %slice3A_258 : vector<1024x128xf32>
    %add3A_261 = arith.constant 4608 : i32
    %add3A_262 = vector.broadcast %add3A_261 : i32 to vector<1024x128xi32>
    %add3A_263 = arith.addi %iota3A, %add3A_262 : vector<1024x128xi32>
    %select_n3A_264 = arith.select %gt3A_259, %add3A_263, %select_n3A_257 : vector<1024x128xi1>, vector<1024x128xi32>
    %slice3A_265 = vector.extract_strided_slice %dot_general3A_162 {offsets = [0, 1920], sizes = [1024, 128], strides = [1, 1]} : vector<1024x2816xf32> to vector<1024x128xf32>
    %gt3A_266 = arith.cmpf ogt, %slice3A_265, %max3A_260 : vector<1024x128xf32>
    %max3A_267 = arith.maximumf %max3A_260, %slice3A_265 : vector<1024x128xf32>
    %add3A_268 = arith.constant 4736 : i32
    %add3A_269 = vector.broadcast %add3A_268 : i32 to vector<1024x128xi32>
    %add3A_270 = arith.addi %iota3A, %add3A_269 : vector<1024x128xi32>
    %select_n3A_271 = arith.select %gt3A_266, %add3A_270, %select_n3A_264 : vector<1024x128xi1>, vector<1024x128xi32>
    %slice3A_272 = vector.extract_strided_slice %dot_general3A_162 {offsets = [0, 2048], sizes = [1024, 128], strides = [1, 1]} : vector<1024x2816xf32> to vector<1024x128xf32>
    %gt3A_273 = arith.cmpf ogt, %slice3A_272, %max3A_267 : vector<1024x128xf32>
    %max3A_274 = arith.maximumf %max3A_267, %slice3A_272 : vector<1024x128xf32>
    %add3A_275 = arith.constant 4864 : i32
    %add3A_276 = vector.broadcast %add3A_275 : i32 to vector<1024x128xi32>
    %add3A_277 = arith.addi %iota3A, %add3A_276 : vector<1024x128xi32>
    %select_n3A_278 = arith.select %gt3A_273, %add3A_277, %select_n3A_271 : vector<1024x128xi1>, vector<1024x128xi32>
    %slice3A_279 = vector.extract_strided_slice %dot_general3A_162 {offsets = [0, 2176], sizes = [1024, 128], strides = [1, 1]} : vector<1024x2816xf32> to vector<1024x128xf32>
    %gt3A_280 = arith.cmpf ogt, %slice3A_279, %max3A_274 : vector<1024x128xf32>
    %max3A_281 = arith.maximumf %max3A_274, %slice3A_279 : vector<1024x128xf32>
    %add3A_282 = arith.constant 4992 : i32
    %add3A_283 = vector.broadcast %add3A_282 : i32 to vector<1024x128xi32>
    %add3A_284 = arith.addi %iota3A, %add3A_283 : vector<1024x128xi32>
    %select_n3A_285 = arith.select %gt3A_280, %add3A_284, %select_n3A_278 : vector<1024x128xi1>, vector<1024x128xi32>
    %slice3A_286 = vector.extract_strided_slice %dot_general3A_162 {offsets = [0, 2304], sizes = [1024, 128], strides = [1, 1]} : vector<1024x2816xf32> to vector<1024x128xf32>
    %gt3A_287 = arith.cmpf ogt, %slice3A_286, %max3A_281 : vector<1024x128xf32>
    %max3A_288 = arith.maximumf %max3A_281, %slice3A_286 : vector<1024x128xf32>
    %add3A_289 = arith.constant 5120 : i32
    %add3A_290 = vector.broadcast %add3A_289 : i32 to vector<1024x128xi32>
    %add3A_291 = arith.addi %iota3A, %add3A_290 : vector<1024x128xi32>
    %select_n3A_292 = arith.select %gt3A_287, %add3A_291, %select_n3A_285 : vector<1024x128xi1>, vector<1024x128xi32>
    %slice3A_293 = vector.extract_strided_slice %dot_general3A_162 {offsets = [0, 2432], sizes = [1024, 128], strides = [1, 1]} : vector<1024x2816xf32> to vector<1024x128xf32>
    %gt3A_294 = arith.cmpf ogt, %slice3A_293, %max3A_288 : vector<1024x128xf32>
    %max3A_295 = arith.maximumf %max3A_288, %slice3A_293 : vector<1024x128xf32>
    %add3A_296 = arith.constant 5248 : i32
    %add3A_297 = vector.broadcast %add3A_296 : i32 to vector<1024x128xi32>
    %add3A_298 = arith.addi %iota3A, %add3A_297 : vector<1024x128xi32>
    %select_n3A_299 = arith.select %gt3A_294, %add3A_298, %select_n3A_292 : vector<1024x128xi1>, vector<1024x128xi32>
    %slice3A_300 = vector.extract_strided_slice %dot_general3A_162 {offsets = [0, 2560], sizes = [1024, 128], strides = [1, 1]} : vector<1024x2816xf32> to vector<1024x128xf32>
    %gt3A_301 = arith.cmpf ogt, %slice3A_300, %max3A_295 : vector<1024x128xf32>
    %max3A_302 = arith.maximumf %max3A_295, %slice3A_300 : vector<1024x128xf32>
    %add3A_303 = arith.constant 5376 : i32
    %add3A_304 = vector.broadcast %add3A_303 : i32 to vector<1024x128xi32>
    %add3A_305 = arith.addi %iota3A, %add3A_304 : vector<1024x128xi32>
    %select_n3A_306 = arith.select %gt3A_301, %add3A_305, %select_n3A_299 : vector<1024x128xi1>, vector<1024x128xi32>
    %slice3A_307 = vector.extract_strided_slice %dot_general3A_162 {offsets = [0, 2688], sizes = [1024, 128], strides = [1, 1]} : vector<1024x2816xf32> to vector<1024x128xf32>
    %gt3A_308 = arith.cmpf ogt, %slice3A_307, %max3A_302 : vector<1024x128xf32>
    %max3A_309 = arith.maximumf %max3A_302, %slice3A_307 : vector<1024x128xf32>
    %add3A_310 = arith.constant 5504 : i32
    %add3A_311 = vector.broadcast %add3A_310 : i32 to vector<1024x128xi32>
    %add3A_312 = arith.addi %iota3A, %add3A_311 : vector<1024x128xi32>
    %select_n3A_313 = arith.select %gt3A_308, %add3A_312, %select_n3A_306 : vector<1024x128xi1>, vector<1024x128xi32>
    %reduce_max3A_314 = arith.constant dense<0xFF800000> : vector<1024xf32>
    %reduce_max3A_315 = vector.multi_reduction <maximumf>, %max3A_309, %reduce_max3A_314 [1] : vector<1024x128xf32> to vector<1024xf32>
    %broadcast_in_dim3A_316 = vector.shape_cast %reduce_max3A_315 : vector<1024xf32> to vector<1024x1xf32>
    %eq3A_317 = vector.broadcast %broadcast_in_dim3A_316 : vector<1024x1xf32> to vector<1024x128xf32>
    %eq3A_318 = arith.cmpf oeq, %max3A_309, %eq3A_317 : vector<1024x128xf32>
    %jit3A_319 = arith.constant 8192 : i32
    %broadcast_in_dim3A_320 = vector.broadcast %jit3A_319 : i32 to vector<1024x128xi32>
    %select_n3A_321 = arith.select %eq3A_318, %select_n3A_313, %broadcast_in_dim3A_320 : vector<1024x128xi1>, vector<1024x128xi32>
    %reduce_min3A_322 = arith.constant dense<2147483647> : vector<1024xi32>
    %reduce_min3A_323 = vector.multi_reduction <minsi>, %select_n3A_321, %reduce_min3A_322 [1] : vector<1024x128xi32> to vector<1024xi32>
    %broadcast_in_dim3A_324 = vector.shape_cast %reduce_min3A_323 : vector<1024xi32> to vector<1024x1xi32>
    %convert_element_type3A = arith.truncf %broadcast_in_dim3A : vector<1024x1xf32> to vector<1024x1xbf16>
    %convert_element_type3A_325 = arith.extf %convert_element_type3A : vector<1024x1xbf16> to vector<1024x1xf32>
    %gt3A_326 = arith.cmpf ogt, %broadcast_in_dim3A_316, %convert_element_type3A_325 : vector<1024x1xf32>
    %select_n3A_327 = arith.select %gt3A_326, %broadcast_in_dim3A_316, %broadcast_in_dim3A : vector<1024x1xi1>, vector<1024x1xf32>
    %select_n3A_328 = arith.select %gt3A_326, %broadcast_in_dim3A_324, %broadcast_in_dim3A_157 : vector<1024x1xi1>, vector<1024x1xi32>
    %get3A_329 = arith.constant 5632 : index
    %get3A_330 = arith.constant 0 : index
    %get3A_331 = vector.load %arg2[%get3A_329, %get3A_330] : memref<8192x256xf32, #tpu.memory_space<vmem>>, vector<2560x256xf32>
    %dot_general3A_332 = arith.constant dense<0.000000e+00> : vector<1024x2560xf32>
    %dot_general3A_333 = tpu.matmul %get3A_1, %get3A_331, %dot_general3A_332 {dimension_numbers = #tpu.dot_dimension_numbers<[1], [1], [0], [0], [0, 0, 1, 0], [], []>, transpose_lhs_hint = false} : vector<1024x256xf32>, vector<2560x256xf32>, vector<1024x2560xf32> -> vector<1024x2560xf32>
    %slice3A_334 = vector.extract_strided_slice %dot_general3A_333 {offsets = [0, 0], sizes = [1024, 128], strides = [1, 1]} : vector<1024x2560xf32> to vector<1024x128xf32>
    %add3A_335 = arith.constant 5632 : i32
    %add3A_336 = vector.broadcast %add3A_335 : i32 to vector<1024x128xi32>
    %add3A_337 = arith.addi %iota3A, %add3A_336 : vector<1024x128xi32>
    %slice3A_338 = vector.extract_strided_slice %dot_general3A_333 {offsets = [0, 128], sizes = [1024, 128], strides = [1, 1]} : vector<1024x2560xf32> to vector<1024x128xf32>
    %gt3A_339 = arith.cmpf ogt, %slice3A_338, %slice3A_334 : vector<1024x128xf32>
    %max3A_340 = arith.maximumf %slice3A_334, %slice3A_338 : vector<1024x128xf32>
    %add3A_341 = arith.constant 5760 : i32
    %add3A_342 = vector.broadcast %add3A_341 : i32 to vector<1024x128xi32>
    %add3A_343 = arith.addi %iota3A, %add3A_342 : vector<1024x128xi32>
    %select_n3A_344 = arith.select %gt3A_339, %add3A_343, %add3A_337 : vector<1024x128xi1>, vector<1024x128xi32>
    %slice3A_345 = vector.extract_strided_slice %dot_general3A_333 {offsets = [0, 256], sizes = [1024, 128], strides = [1, 1]} : vector<1024x2560xf32> to vector<1024x128xf32>
    %gt3A_346 = arith.cmpf ogt, %slice3A_345, %max3A_340 : vector<1024x128xf32>
    %max3A_347 = arith.maximumf %max3A_340, %slice3A_345 : vector<1024x128xf32>
    %add3A_348 = arith.constant 5888 : i32
    %add3A_349 = vector.broadcast %add3A_348 : i32 to vector<1024x128xi32>
    %add3A_350 = arith.addi %iota3A, %add3A_349 : vector<1024x128xi32>
    %select_n3A_351 = arith.select %gt3A_346, %add3A_350, %select_n3A_344 : vector<1024x128xi1>, vector<1024x128xi32>
    %slice3A_352 = vector.extract_strided_slice %dot_general3A_333 {offsets = [0, 384], sizes = [1024, 128], strides = [1, 1]} : vector<1024x2560xf32> to vector<1024x128xf32>
    %gt3A_353 = arith.cmpf ogt, %slice3A_352, %max3A_347 : vector<1024x128xf32>
    %max3A_354 = arith.maximumf %max3A_347, %slice3A_352 : vector<1024x128xf32>
    %add3A_355 = arith.constant 6016 : i32
    %add3A_356 = vector.broadcast %add3A_355 : i32 to vector<1024x128xi32>
    %add3A_357 = arith.addi %iota3A, %add3A_356 : vector<1024x128xi32>
    %select_n3A_358 = arith.select %gt3A_353, %add3A_357, %select_n3A_351 : vector<1024x128xi1>, vector<1024x128xi32>
    %slice3A_359 = vector.extract_strided_slice %dot_general3A_333 {offsets = [0, 512], sizes = [1024, 128], strides = [1, 1]} : vector<1024x2560xf32> to vector<1024x128xf32>
    %gt3A_360 = arith.cmpf ogt, %slice3A_359, %max3A_354 : vector<1024x128xf32>
    %max3A_361 = arith.maximumf %max3A_354, %slice3A_359 : vector<1024x128xf32>
    %add3A_362 = arith.constant 6144 : i32
    %add3A_363 = vector.broadcast %add3A_362 : i32 to vector<1024x128xi32>
    %add3A_364 = arith.addi %iota3A, %add3A_363 : vector<1024x128xi32>
    %select_n3A_365 = arith.select %gt3A_360, %add3A_364, %select_n3A_358 : vector<1024x128xi1>, vector<1024x128xi32>
    %slice3A_366 = vector.extract_strided_slice %dot_general3A_333 {offsets = [0, 640], sizes = [1024, 128], strides = [1, 1]} : vector<1024x2560xf32> to vector<1024x128xf32>
    %gt3A_367 = arith.cmpf ogt, %slice3A_366, %max3A_361 : vector<1024x128xf32>
    %max3A_368 = arith.maximumf %max3A_361, %slice3A_366 : vector<1024x128xf32>
    %add3A_369 = arith.constant 6272 : i32
    %add3A_370 = vector.broadcast %add3A_369 : i32 to vector<1024x128xi32>
    %add3A_371 = arith.addi %iota3A, %add3A_370 : vector<1024x128xi32>
    %select_n3A_372 = arith.select %gt3A_367, %add3A_371, %select_n3A_365 : vector<1024x128xi1>, vector<1024x128xi32>
    %slice3A_373 = vector.extract_strided_slice %dot_general3A_333 {offsets = [0, 768], sizes = [1024, 128], strides = [1, 1]} : vector<1024x2560xf32> to vector<1024x128xf32>
    %gt3A_374 = arith.cmpf ogt, %slice3A_373, %max3A_368 : vector<1024x128xf32>
    %max3A_375 = arith.maximumf %max3A_368, %slice3A_373 : vector<1024x128xf32>
    %add3A_376 = arith.constant 6400 : i32
    %add3A_377 = vector.broadcast %add3A_376 : i32 to vector<1024x128xi32>
    %add3A_378 = arith.addi %iota3A, %add3A_377 : vector<1024x128xi32>
    %select_n3A_379 = arith.select %gt3A_374, %add3A_378, %select_n3A_372 : vector<1024x128xi1>, vector<1024x128xi32>
    %slice3A_380 = vector.extract_strided_slice %dot_general3A_333 {offsets = [0, 896], sizes = [1024, 128], strides = [1, 1]} : vector<1024x2560xf32> to vector<1024x128xf32>
    %gt3A_381 = arith.cmpf ogt, %slice3A_380, %max3A_375 : vector<1024x128xf32>
    %max3A_382 = arith.maximumf %max3A_375, %slice3A_380 : vector<1024x128xf32>
    %add3A_383 = arith.constant 6528 : i32
    %add3A_384 = vector.broadcast %add3A_383 : i32 to vector<1024x128xi32>
    %add3A_385 = arith.addi %iota3A, %add3A_384 : vector<1024x128xi32>
    %select_n3A_386 = arith.select %gt3A_381, %add3A_385, %select_n3A_379 : vector<1024x128xi1>, vector<1024x128xi32>
    %slice3A_387 = vector.extract_strided_slice %dot_general3A_333 {offsets = [0, 1024], sizes = [1024, 128], strides = [1, 1]} : vector<1024x2560xf32> to vector<1024x128xf32>
    %gt3A_388 = arith.cmpf ogt, %slice3A_387, %max3A_382 : vector<1024x128xf32>
    %max3A_389 = arith.maximumf %max3A_382, %slice3A_387 : vector<1024x128xf32>
    %add3A_390 = arith.constant 6656 : i32
    %add3A_391 = vector.broadcast %add3A_390 : i32 to vector<1024x128xi32>
    %add3A_392 = arith.addi %iota3A, %add3A_391 : vector<1024x128xi32>
    %select_n3A_393 = arith.select %gt3A_388, %add3A_392, %select_n3A_386 : vector<1024x128xi1>, vector<1024x128xi32>
    %slice3A_394 = vector.extract_strided_slice %dot_general3A_333 {offsets = [0, 1152], sizes = [1024, 128], strides = [1, 1]} : vector<1024x2560xf32> to vector<1024x128xf32>
    %gt3A_395 = arith.cmpf ogt, %slice3A_394, %max3A_389 : vector<1024x128xf32>
    %max3A_396 = arith.maximumf %max3A_389, %slice3A_394 : vector<1024x128xf32>
    %add3A_397 = arith.constant 6784 : i32
    %add3A_398 = vector.broadcast %add3A_397 : i32 to vector<1024x128xi32>
    %add3A_399 = arith.addi %iota3A, %add3A_398 : vector<1024x128xi32>
    %select_n3A_400 = arith.select %gt3A_395, %add3A_399, %select_n3A_393 : vector<1024x128xi1>, vector<1024x128xi32>
    %slice3A_401 = vector.extract_strided_slice %dot_general3A_333 {offsets = [0, 1280], sizes = [1024, 128], strides = [1, 1]} : vector<1024x2560xf32> to vector<1024x128xf32>
    %gt3A_402 = arith.cmpf ogt, %slice3A_401, %max3A_396 : vector<1024x128xf32>
    %max3A_403 = arith.maximumf %max3A_396, %slice3A_401 : vector<1024x128xf32>
    %add3A_404 = arith.constant 6912 : i32
    %add3A_405 = vector.broadcast %add3A_404 : i32 to vector<1024x128xi32>
    %add3A_406 = arith.addi %iota3A, %add3A_405 : vector<1024x128xi32>
    %select_n3A_407 = arith.select %gt3A_402, %add3A_406, %select_n3A_400 : vector<1024x128xi1>, vector<1024x128xi32>
    %slice3A_408 = vector.extract_strided_slice %dot_general3A_333 {offsets = [0, 1408], sizes = [1024, 128], strides = [1, 1]} : vector<1024x2560xf32> to vector<1024x128xf32>
    %gt3A_409 = arith.cmpf ogt, %slice3A_408, %max3A_403 : vector<1024x128xf32>
    %max3A_410 = arith.maximumf %max3A_403, %slice3A_408 : vector<1024x128xf32>
    %add3A_411 = arith.constant 7040 : i32
    %add3A_412 = vector.broadcast %add3A_411 : i32 to vector<1024x128xi32>
    %add3A_413 = arith.addi %iota3A, %add3A_412 : vector<1024x128xi32>
    %select_n3A_414 = arith.select %gt3A_409, %add3A_413, %select_n3A_407 : vector<1024x128xi1>, vector<1024x128xi32>
    %slice3A_415 = vector.extract_strided_slice %dot_general3A_333 {offsets = [0, 1536], sizes = [1024, 128], strides = [1, 1]} : vector<1024x2560xf32> to vector<1024x128xf32>
    %gt3A_416 = arith.cmpf ogt, %slice3A_415, %max3A_410 : vector<1024x128xf32>
    %max3A_417 = arith.maximumf %max3A_410, %slice3A_415 : vector<1024x128xf32>
    %add3A_418 = arith.constant 7168 : i32
    %add3A_419 = vector.broadcast %add3A_418 : i32 to vector<1024x128xi32>
    %add3A_420 = arith.addi %iota3A, %add3A_419 : vector<1024x128xi32>
    %select_n3A_421 = arith.select %gt3A_416, %add3A_420, %select_n3A_414 : vector<1024x128xi1>, vector<1024x128xi32>
    %slice3A_422 = vector.extract_strided_slice %dot_general3A_333 {offsets = [0, 1664], sizes = [1024, 128], strides = [1, 1]} : vector<1024x2560xf32> to vector<1024x128xf32>
    %gt3A_423 = arith.cmpf ogt, %slice3A_422, %max3A_417 : vector<1024x128xf32>
    %max3A_424 = arith.maximumf %max3A_417, %slice3A_422 : vector<1024x128xf32>
    %add3A_425 = arith.constant 7296 : i32
    %add3A_426 = vector.broadcast %add3A_425 : i32 to vector<1024x128xi32>
    %add3A_427 = arith.addi %iota3A, %add3A_426 : vector<1024x128xi32>
    %select_n3A_428 = arith.select %gt3A_423, %add3A_427, %select_n3A_421 : vector<1024x128xi1>, vector<1024x128xi32>
    %slice3A_429 = vector.extract_strided_slice %dot_general3A_333 {offsets = [0, 1792], sizes = [1024, 128], strides = [1, 1]} : vector<1024x2560xf32> to vector<1024x128xf32>
    %gt3A_430 = arith.cmpf ogt, %slice3A_429, %max3A_424 : vector<1024x128xf32>
    %max3A_431 = arith.maximumf %max3A_424, %slice3A_429 : vector<1024x128xf32>
    %add3A_432 = arith.constant 7424 : i32
    %add3A_433 = vector.broadcast %add3A_432 : i32 to vector<1024x128xi32>
    %add3A_434 = arith.addi %iota3A, %add3A_433 : vector<1024x128xi32>
    %select_n3A_435 = arith.select %gt3A_430, %add3A_434, %select_n3A_428 : vector<1024x128xi1>, vector<1024x128xi32>
    %slice3A_436 = vector.extract_strided_slice %dot_general3A_333 {offsets = [0, 1920], sizes = [1024, 128], strides = [1, 1]} : vector<1024x2560xf32> to vector<1024x128xf32>
    %gt3A_437 = arith.cmpf ogt, %slice3A_436, %max3A_431 : vector<1024x128xf32>
    %max3A_438 = arith.maximumf %max3A_431, %slice3A_436 : vector<1024x128xf32>
    %add3A_439 = arith.constant 7552 : i32
    %add3A_440 = vector.broadcast %add3A_439 : i32 to vector<1024x128xi32>
    %add3A_441 = arith.addi %iota3A, %add3A_440 : vector<1024x128xi32>
    %select_n3A_442 = arith.select %gt3A_437, %add3A_441, %select_n3A_435 : vector<1024x128xi1>, vector<1024x128xi32>
    %slice3A_443 = vector.extract_strided_slice %dot_general3A_333 {offsets = [0, 2048], sizes = [1024, 128], strides = [1, 1]} : vector<1024x2560xf32> to vector<1024x128xf32>
    %gt3A_444 = arith.cmpf ogt, %slice3A_443, %max3A_438 : vector<1024x128xf32>
    %max3A_445 = arith.maximumf %max3A_438, %slice3A_443 : vector<1024x128xf32>
    %add3A_446 = arith.constant 7680 : i32
    %add3A_447 = vector.broadcast %add3A_446 : i32 to vector<1024x128xi32>
    %add3A_448 = arith.addi %iota3A, %add3A_447 : vector<1024x128xi32>
    %select_n3A_449 = arith.select %gt3A_444, %add3A_448, %select_n3A_442 : vector<1024x128xi1>, vector<1024x128xi32>
    %slice3A_450 = vector.extract_strided_slice %dot_general3A_333 {offsets = [0, 2176], sizes = [1024, 128], strides = [1, 1]} : vector<1024x2560xf32> to vector<1024x128xf32>
    %gt3A_451 = arith.cmpf ogt, %slice3A_450, %max3A_445 : vector<1024x128xf32>
    %max3A_452 = arith.maximumf %max3A_445, %slice3A_450 : vector<1024x128xf32>
    %add3A_453 = arith.constant 7808 : i32
    %add3A_454 = vector.broadcast %add3A_453 : i32 to vector<1024x128xi32>
    %add3A_455 = arith.addi %iota3A, %add3A_454 : vector<1024x128xi32>
    %select_n3A_456 = arith.select %gt3A_451, %add3A_455, %select_n3A_449 : vector<1024x128xi1>, vector<1024x128xi32>
    %slice3A_457 = vector.extract_strided_slice %dot_general3A_333 {offsets = [0, 2304], sizes = [1024, 128], strides = [1, 1]} : vector<1024x2560xf32> to vector<1024x128xf32>
    %gt3A_458 = arith.cmpf ogt, %slice3A_457, %max3A_452 : vector<1024x128xf32>
    %max3A_459 = arith.maximumf %max3A_452, %slice3A_457 : vector<1024x128xf32>
    %add3A_460 = arith.constant 7936 : i32
    %add3A_461 = vector.broadcast %add3A_460 : i32 to vector<1024x128xi32>
    %add3A_462 = arith.addi %iota3A, %add3A_461 : vector<1024x128xi32>
    %select_n3A_463 = arith.select %gt3A_458, %add3A_462, %select_n3A_456 : vector<1024x128xi1>, vector<1024x128xi32>
    %slice3A_464 = vector.extract_strided_slice %dot_general3A_333 {offsets = [0, 2432], sizes = [1024, 128], strides = [1, 1]} : vector<1024x2560xf32> to vector<1024x128xf32>
    %gt3A_465 = arith.cmpf ogt, %slice3A_464, %max3A_459 : vector<1024x128xf32>
    %max3A_466 = arith.maximumf %max3A_459, %slice3A_464 : vector<1024x128xf32>
    %add3A_467 = arith.constant 8064 : i32
    %add3A_468 = vector.broadcast %add3A_467 : i32 to vector<1024x128xi32>
    %add3A_469 = arith.addi %iota3A, %add3A_468 : vector<1024x128xi32>
    %select_n3A_470 = arith.select %gt3A_465, %add3A_469, %select_n3A_463 : vector<1024x128xi1>, vector<1024x128xi32>
    %reduce_max3A_471 = arith.constant dense<0xFF800000> : vector<1024xf32>
    %reduce_max3A_472 = vector.multi_reduction <maximumf>, %max3A_466, %reduce_max3A_471 [1] : vector<1024x128xf32> to vector<1024xf32>
    %broadcast_in_dim3A_473 = vector.shape_cast %reduce_max3A_472 : vector<1024xf32> to vector<1024x1xf32>
    %eq3A_474 = vector.broadcast %broadcast_in_dim3A_473 : vector<1024x1xf32> to vector<1024x128xf32>
    %eq3A_475 = arith.cmpf oeq, %max3A_466, %eq3A_474 : vector<1024x128xf32>
    %jit3A_476 = arith.constant 8192 : i32
    %broadcast_in_dim3A_477 = vector.broadcast %jit3A_476 : i32 to vector<1024x128xi32>
    %select_n3A_478 = arith.select %eq3A_475, %select_n3A_470, %broadcast_in_dim3A_477 : vector<1024x128xi1>, vector<1024x128xi32>
    %reduce_min3A_479 = arith.constant dense<2147483647> : vector<1024xi32>
    %reduce_min3A_480 = vector.multi_reduction <minsi>, %select_n3A_478, %reduce_min3A_479 [1] : vector<1024x128xi32> to vector<1024xi32>
    %broadcast_in_dim3A_481 = vector.shape_cast %reduce_min3A_480 : vector<1024xi32> to vector<1024x1xi32>
    %convert_element_type3A_482 = arith.truncf %select_n3A_327 : vector<1024x1xf32> to vector<1024x1xbf16>
    %convert_element_type3A_483 = arith.extf %convert_element_type3A_482 : vector<1024x1xbf16> to vector<1024x1xf32>
    %gt3A_484 = arith.cmpf ogt, %broadcast_in_dim3A_473, %convert_element_type3A_483 : vector<1024x1xf32>
    %select_n3A_485 = arith.select %gt3A_484, %broadcast_in_dim3A_481, %select_n3A_328 : vector<1024x1xi1>, vector<1024x1xi32>
    %squeeze3A = vector.shape_cast %select_n3A_485 : vector<1024x1xi32> to vector<1024xi32>
    %swap3A = arith.constant 0 : index
    %swap3A_486 = arith.constant 0 : index
    %swap3A_487 = arith.constant 0 : index
    %swap3A_488 = vector.load %arg3[%swap3A, %swap3A_486, %swap3A_487] : memref<1x1x1024xi32, #tpu.memory_space<vmem>>, vector<1x1x1024xi32>
    %swap3A_489 = vector.shape_cast %swap3A_488 : vector<1x1x1024xi32> to vector<1024xi32>
    %swap3A_490 = vector.shape_cast %squeeze3A : vector<1024xi32> to vector<1x1x1024xi32>
    tpu.vector_store %arg3[%swap3A, %swap3A_486, %swap3A_487], %swap3A_490 {strides = array<i32>} : memref<1x1x1024xi32, #tpu.memory_space<vmem>>, vector<1x1x1024xi32>,
    return
  }
  func.func @transform_0(%arg0: i32) -> (i32, i32) {
    %c0_i32 = arith.constant 0 : i32
    %c0_i32_0 = arith.constant 0 : i32
    return %arg0, %c0_i32 : i32, i32
  }
  func.func @transform_1(%arg0: i32) -> (i32, i32) {
    %c0_i32 = arith.constant 0 : i32
    %c0_i32_0 = arith.constant 0 : i32
    %c0_i32_1 = arith.constant 0 : i32
    return %c0_i32, %c0_i32_0 : i32, i32
  }
  func.func @transform_2(%arg0: i32) -> (i32, i32, i32) {
    %c0_i32 = arith.constant 0 : i32
    %c0_i32_0 = arith.constant 0 : i32
    %c0_i32_1 = arith.constant 0 : i32
    return %arg0, %c0_i32, %c0_i32_0 : i32, i32, i32
  }
}

</mosaic_0001>

<sc_bundles>
// kernel: kernel.4.cloned.1.call-start
scs
__scs_entry_jumppad:
0x0: {  	(pc) =	sbr.rel $0x88, $3  }
0x1: {  	(tag) =	ssettag $0x0;
	lr =	simm.s32 $0x1  }
0x2: {  	[smem:$0x3F9F] =	sst lr;
	_ =	strace $0xD0000000  }
0x3: {  	_ = 	snop  }
0x4: {  	_ = 	snop  }
0x5: {  	_ = 	snop  }
0x6: {  	_ = 	snop  }
0x7: {  	_ = 	snop  }
__scs_overlays_trampoline_lowered:
0x8: {  	[smem:$0x3FAE] =	sst s0  }
0x9: {  	[smem:$0x3FAF] =	sst s1  }
0xa: {  	[smem:$0x3FB0] =	sst s2  }
0xb: {  	[smem:$0x3FB1] =	sst s3  }
0xc: {  	[smem:$0x3FB2] =	sst s4  }
0xd: {  	[smem:$0x3FB3] =	sst s5  }
0xe: {  	[smem:$0x3FB4] =	sst s6  }
0xf: {  	[smem:$0x3FB5] =	sst s7  }
0x10: {  	[smem:$0x3FB6] =	sst s8  }
0x11: {  	[smem:$0x3FB7] =	sst s9;
	s0 =	simm.s32 @!p0 $0x0  }
0x12: {  	s1 =	sld [smem:$0x3F9D];
	s0 =	simm.s32 @p0 $0x1  }
0x13: {  	[smem:$0x3FB8] =	sst s0;
	s0 =	simm.s32 @!p1 $0x0  }
0x14: {  	s2 =	sld [smem:$0x3F9C];
	s0 =	simm.s32 @p1 $0x1  }
0x15: {  	[smem:$0x3FB9] =	sst s0;
	s0 =	simm.s32 @!p2 $0x0  }
0x16: {  	s3 =	sld [smem:$0x3FDB];
	s0 =	simm.s32 @p2 $0x1  }
0x17: {  	s4 =	simm.s32 $0x1BF5;
	[smem:$0x3FBB] =	sst s0  }
0x18: {  	s0 =	sld [smem:$0x3F9E];
	_ =	swait.ge [sflag:s4], $0x0  }
0x19: {  	s7 =	sld [smem:$0x3F9F]  }
0x1a: {  	s8 =	sadd.s32 $0xFFFFE003, lr  }
0x1b: {  	s9 =	sadd.s32 $0xFFFFFEF7, lr;
	s5 =	simm.s32 $0xFFFFFFFF;
	p2 =	slt.u32 s8, $0xFFFFF086  }
0x1c: {  	p1 =	slt.u32 s9, $0xF7A;
	s5 =	simm.s32 @!p2 $0x0  }
0x1d: {  	s5 =	simm.s32 @p1 $0x1;
	p0 =	seq.s32 s7, s2  }
0x1e: {  	s7 =	smul.u32 @!p0 $0xF7A, s2;
	p2 =	seq.s32 @!p0 s5, $0x0  }
0x1f: {  	s9 =	smul.u32 $0xF7A, s1;
	s8 =	simm.s32 @!p0 $0x1BF5;
	p2 =	por !p2, p0  }
0x20: {  	[sflag:s8] =	ssyncset.s32 @!p0 $0xFFFFF086;
	s6 =	sadd.s32 @!p0 s3, s7;
	s7 =	simm.s32 @!p0 $0x108  }
0x21: {  	s3 =	sadd.s32 s3, s9;
	s6 =	sadd.s32 @!p0 $0x88, s6;
	s7 =	simm.s32 @p2 $0x1082  }
0x22: {  	[simem:s7], [sflag:s8] =	dma.local @!p0 [hbm:s6], $0xF7A  }
0x23: {  	s9 =	sor.u32 $0xD0000000, s2;
	s6 =	simm.s32 $0x108;
	_ =	swait.ge @!p0 [sflag:s8], $0x0  }
0x24: {  	s3 =	sadd.s32 $0x88, s3;
	s6 =	simm.s32 @!p1 $0x1082;
	[sflag:s4] =	ssyncset.s32 $0xFFFFF086  }
0x25: {  	[simem:s6], [sflag:s4] =	dma.local [hbm:s3], $0xF7A  }
0x26: {  	[smem:$0x3F9F] =	sst s1;
	(tag) =	ssettag s2;
	_ =	strace s9  }
0x27: {  	s1 =	sld [smem:$0x3FAF]  }
0x28: {  	s2 =	sld [smem:$0x3FB0]  }
0x29: {  	s4 =	sld [smem:$0x3FB2]  }
0x2a: {  	p0 =	seq.s32 s5, $0x0;
	s5 =	sld [smem:$0x3FB3]  }
0x2b: {  	s6 =	sld [smem:$0x3FB4]  }
0x2c: {  	s7 =	sld [smem:$0x3FB5]  }
0x2d: {  	s3 =	simm.s32 $0x108;
	s8 =	sld [smem:$0x3FB6]  }
0x2e: {  	s3 =	simm.s32 @!p0 $0x1082;
	s9 =	sld [smem:$0x3FB7]  }
0x2f: {  	lr =	sadd.s32 s0, s3;
	s0 =	sld [smem:$0x3FAE]  }
0x30: {  	s3 =	sld [smem:$0x3FB1]  }
0x31: {  	[smem:$0x3FBA] =	sst s10  }
0x32: {  	s10 =	sld [smem:$0x3FB8];
	_ =	sdelay $0x3  }
0x33: {  	p0 =	seq.s32 s10, $0x1;
	s10 =	sld [smem:$0x3FBA];
	_ =	sdelay $0x3  }
0x34: {  	[smem:$0x3FBA] =	sst s10  }
0x35: {  	s10 =	sld [smem:$0x3FB9];
	_ =	sdelay $0x3  }
0x36: {  	p1 =	seq.s32 s10, $0x1;
	s10 =	sld [smem:$0x3FBA];
	_ =	sdelay $0x3  }
0x37: {  	[smem:$0x3FBA] =	sst s10  }
0x38: {  	s10 =	sld [smem:$0x3FBB]  }
0x39: {  	_ = 	snop;
	(pc) =	sbr.ind lr, $3  }
0x3a: {  	_ = 	snop  }
0x3b: {  	_ = 	snop  }
0x3c: {  	p2 =	seq.s32 s10, $0x1;
	s10 =	sld [smem:$0x3FBA]  }
0x3d: {  	_ =	shalt  }
0x3e: {  	_ =	shalt  }
0x3f: {  	_ =	shalt  }
0x40: {  	_ =	shalt  }
0x41: {  	_ =	shalt  }
0x42: {  	_ =	shalt  }
0x43: {  	_ =	shalt  }
0x44: {  	_ =	shalt  }
0x45: {  	_ =	shalt  }
0x46: {  	_ =	shalt  }
0x47: {  	_ =	shalt  }
0x48: {  	_ =	shalt  }
0x49: {  	_ =	shalt  }
0x4a: {  	_ =	shalt  }
0x4b: {  	_ =	shalt  }
0x4c: {  	_ =	shalt  }
0x4d: {  	_ =	shalt  }
0x4e: {  	_ =	shalt  }
0x4f: {  	_ =	shalt  }
0x50: {  	_ =	shalt  }
0x51: {  	_ =	shalt  }
0x52: {  	_ =	shalt  }
0x53: {  	_ =	shalt  }
0x54: {  	_ =	shalt  }
0x55: {  	_ =	shalt  }
0x56: {  	_ =	shalt  }
0x57: {  	_ =	shalt  }
0x58: {  	_ =	shalt  }
0x59: {  	_ =	shalt  }
0x5a: {  	_ =	shalt  }
0x5b: {  	_ =	shalt  }
0x5c: {  	_ =	shalt  }
0x5d: {  	_ =	shalt  }
0x5e: {  	_ =	shalt  }
0x5f: {  	_ =	shalt  }
0x60: {  	_ =	shalt  }
0x61: {  	_ =	shalt  }
0x62: {  	_ =	shalt  }
0x63: {  	_ =	shalt  }
0x64: {  	_ =	shalt  }
0x65: {  	_ =	shalt  }
0x66: {  	_ =	shalt  }
0x67: {  	_ =	shalt  }
0x68: {  	_ =	shalt  }
0x69: {  	_ =	shalt  }
0x6a: {  	_ =	shalt  }
0x6b: {  	_ =	shalt  }
0x6c: {  	_ =	shalt  }
0x6d: {  	_ =	shalt  }
0x6e: {  	_ =	shalt  }
0x6f: {  	_ =	shalt  }
0x70: {  	_ =	shalt  }
0x71: {  	_ =	shalt  }
0x72: {  	_ =	shalt  }
0x73: {  	_ =	shalt  }
0x74: {  	_ =	shalt  }
0x75: {  	_ =	shalt  }
0x76: {  	_ =	shalt  }
0x77: {  	_ =	shalt  }
0x78: {  	_ =	shalt  }
0x79: {  	_ =	shalt  }
0x7a: {  	_ =	shalt  }
0x7b: {  	_ =	shalt  }
0x7c: {  	_ =	shalt  }
0x7d: {  	_ =	shalt  }
0x7e: {  	_ =	shalt  }
0x7f: {  	_ =	shalt  }
0x80: {  	_ =	shalt  }
0x81: {  	_ =	shalt  }
0x82: {  	_ =	shalt  }
0x83: {  	_ =	shalt  }
0x84: {  	_ =	shalt  }
0x85: {  	_ =	shalt  }
0x86: {  	_ =	shalt  }
0x87: {  	_ =	shalt  }
.Lfunc_end0:
.L_simem_size_0:
called_computation_lowered:
.L_overlay_start_0:
0x88: {  	s2 =	sld [smem:$0x3FD9]  }
0x89: {  	s3 =	sld [smem:$0x3FFE];
	_ =	sdelay $0x1  }
0x8a: {  	s1 =	srdreg.scid  }
0x8b: {  	s0 =	sand.u32 $0x1, s1  }
0x8c: {  	s14 =	sshll.u32 s0, $0xA;
	s2 =	sadd.s32 s3, s2  }
0x8d: {  	s2 =	sadd.s32 s2, s14  }
0x8e: {  	[smem:$0x3FC6] =	sst s2  }
0x8f: {  	_ = 	snop  }
0x90: {  	s2 =	sld [smem:$0x3FD0];
	_ =	sdelay $0x2  }
0x91: {  	s4 =	simm.s32 $0xA;
	s5 =	simm.s32 $0x10;
	s15 =	sld [smem:$0x3FC8]  }
0x92: {  	[smem:s5], [sflag:s4] =	dma.local [hbm:s2], $0x1  }
0x93: {  	_ =	swait.eq [sflag:s4], $0x1  }
0x94: {  	[sflag:s4] =	ssyncset.done $0x0  }
0x95: {  	[sflag:s4] =	ssyncadd.s32 $0xFFFFFFFF  }
0x96: {  	s16 =	sld [smem:$0x10];
	(tm) =	ssettm $0x1  }
0x97: {  	s17 =	sld [smem:$0x3FFB];
	_ =	sdelay $0x3  }
0x98: {  	_ =	strace s17  }
0x99: {  	s4 =	sld [smem:$0x3FFC];
	_ =	sdelay $0x3  }
0x9a: {  	_ =	strace s4  }
0x9b: {  	s4 =	sld [smem:$0x3FFD];
	_ =	sdelay $0x3  }
0x9c: {  	_ =	strace s4  }
0x9d: {  	_ =	strace $0x8FFFFFFF  }
0x9e: {  	s18 =	sld [smem:$0x3FDB];
	_ =	sdelay $0x1  }
0x9f: {  	s19 =	simm.s32 $_scs_section_size  }
0xa0: {  	s6 =	simm.s32 $_size__tile_overlayer_lowered;
	s7 =	simm.s32 $_tile_overlayer_lowered  }
0xa1: {  	s22 =	simm.s32 $0x1BFF;
	s21 =	sshll.u32 s7, $0x1;
	s4 =	sadd.s32 s19, s18  }
0xa2: {  	s8 =	simm.s32 $0x0;
	s20 =	sshll.u32 s6, $0x1;
	s6 =	sadd.s32 s21, s4  }
0xa3: {  	[timem:s8], [sflag:s22] =	dma.local [hbm:s6], s20  }
0xa4: {  	_ =	swait.ge [sflag:s22], s20  }
0xa5: {  	s5 =	ssub.s32 $0x0, s20;
	[sflag:s22] =	ssyncset.done $0x0  }
0xa6: {  	[sflag:s22] =	ssyncadd.s32 s5;
	_ =	sdelay $0x1  }
0xa7: {  	s23 =	simm.s32 $0x1B8B  }
0xa8: {  	_ =	swait.ge [sflag:s23], $0x1  }
0xa9: {  	[sflag:s23] =	ssyncset.done $0x0  }
0xaa: {  	s25 =	simm.s32 $0x1B8E;
	s24 =	sld [smem:$0x3FFE];
	[sflag:s23] =	ssyncadd.s32 $0xFFFFFFFF  }
0xab: {  	s26 =	simm.s32 $execute0_lowered;
	[smem:$0x3FD2] =	sst s25  }
0xac: {  	s6 =	sshll.u32 s26, $0x1;
	_ =	strace $0x80000046;
	[dreg:$0x1] =	wrdreg $0xFFFFFFFF  }
0xad: {  	s28 =	simm.s32 $_size_execute0_lowered;
	s4 =	sadd.s32 s4, s6;
	[dreg:$0x0] =	wrdreg $0x0  }
0xae: {  	s6 =	sshll.u32 s28, $0x1;
	[dreg:$0x2] =	wrdreg s4  }
0xaf: {  	[dreg:$0x3] =	wrdreg s6  }
0xb0: {  	[dreg:$0x4] =	wrdreg $0xC0  }
0xb1: {  	_ =	task [dreg:s8], $0x5FFFF  }
0xb2: {  	[dreg:$0x1] =	wrdreg $0xFFFFFFFF  }
0xb3: {  	[dreg:$0x0] =	wrdreg $0x60  }
0xb4: {  	[dreg:$0x2] =	wrdreg s15  }
0xb5: {  	[dreg:$0x3] =	wrdreg s24  }
0xb6: {  	[dreg:$0x4] =	wrdreg s16  }
0xb7: {  	[dreg:$0x5] =	wrdreg $0x9  }
0xb8: {  	_ =	task.clear_ibuf [dreg:s8], $0x6FFFF;
	_ =	strace $0x90000046  }
0xb9: {  	s29 =	simm.s32 $0x9;
	_ =	strace $0x80000048  }
0xba: {  	_ =	swait.ge [sflag:s29], $0x1  }
0xbb: {  	[sflag:s29] =	ssyncadd.s32 $0xFFFFFFFF  }
0xbc: {  	_ =	strace $0x90000048  }
0xbd: {  	_ =	sfence  }
0xbe: {  	s30 =	sld [smem:$0x0];
	_ =	sdelay $0x2  }
0xbf: {  	s31 =	sshll.u32 s1, $0xD;
	s1 =	sshrl.u32 s1, $0x2  }
0xc0: {  	s3 =	sand.u32 $0x4000, s31;
	s1 =	sadd.s32 s1, s30  }
0xc1: {  	s0 =	sor.u32 s3, s0;
	s1 =	sshll.u32 s1, $0x11  }
0xc2: {  	s0 =	sor.u32 s1, s0  }
0xc3: {  	s0 =	sadd.s32 $0x8F2B, s0  }
0xc4: {  	[sflag:s0] =	ssyncadd.remote.s32 $0x1  }
0xc5: {  	_ =	sfence.sel $0xFFFF  }
0xc6: {  	[dreg:$0x0] =	wrdreg $0xFFFFFFFF;
	(pc) =	sbr.abs _section_cstart, $3  }
0xc7: {  	[dreg:$0x1] =	wrdreg $0xFFFFFFFF  }
0xc8: {  	_ =	task.clear_ibuf [dreg:s8], $0x2FFFF;
	_ =	strace $0x9FFFFFFF  }
0xc9: {  	(tm) =	ssettm $0x7FFFFFFF  }
tec
execute0_lowered:
.L_overlay_start_1:
0x0: {  	(tag) =	ssettag $0x1  }
0x1: {  	s0 =	srdreg.scid;
	s1 =	rddreg [dreg:$0x0]  }
0x2: {  	s3 =	stileid.u32;
	s2 =	rddreg [dreg:$0x1]  }
0x3: {  	s5 =	rddreg [dreg:$0x2];
	s15 =	simm.s32 $0x2;
	s17 =	simm.s32 $0x1200  }
0x4: {  	s18 =	simm.s32 $0x1A00;
	s19 =	simm.s32 $0x2200;
	s20 =	simm.s32 $0x2A00  }
0x5: {  	s21 =	simm.s32 $0x3200;
	s22 =	simm.s32 $0x3A00;
	s28 =	simm.s32 $0x5A00  }
0x6: {  	s29 =	simm.s32 $0x6200;
	s30 =	simm.s32 $0x6A00;
	s31 =	simm.s32 $0x7200  }
0x7: {  	s8 =	simm.s32 $0x9200;
	s9 =	simm.s32 $0x9A00;
	s10 =	simm.s32 $0xA200  }
0x8: {  	s11 =	simm.s32 $0xAA00;
	s13 =	simm.s32 $0xBA00;
	s0 =	sand.u32 $0x1, s0  }
0x9: {  	s14 =	simm.s32 $0x200;
	s3 =	sshll.u32 s3, $0xA;
	s4 =	sshll.u32 s0, $0x9  }
0xa: {  	s0 =	ssub.s32 $0x2, s0;
	s4 =	sor.u32 s4, s3;
	s3 =	simm.s32 $0x0  }
0xb: {  	s25 =	sshrl.u32 s0, $0x1;
	s6 =	sshrl.u32 s4, $0x3;
	s4 =	sshll.u32 s4, $0x5  }
0xc: {  	[smem:$0x7FF] =	sst s3;
	s2 =	sadd.s32 s6, s2;
	s4 =	sadd.s32 s5, s4  }
0xd: {  	_ =	strace $0x80000047;
	s2 =	sadd.s32 $0xA00, s2;
	[dreg:$0x8] =	wrdreg s4  }
0xe: {  	s0 =	ssub.s32 s0, s25;
	s23 =	sadd.s32 $0x1000, s4;
	[dreg:$0x4] =	wrdreg s2  }
0xf: {  	s25 =	simm.s32 $0x4A00;
	s24 =	sadd.s32 $0x2000, s4;
	[dreg:$0x5] =	wrdreg s23  }
0x10: {  	v2 =	vlaneseq.u32;
	s5 =	smax.u32 s0, $0x1;
	s26 =	sadd.s32 $0x3000, s4;
	[dreg:$0x6] =	wrdreg s24  }
0x11: {  	vm0 =	vmmov $0xffff;
	v1 =	vshrl.u32 v2, $0x3;
	s6 =	simm.s32 $0x3;
	s4 =	simm.s32 $0x1;
	[dreg:$0x7] =	wrdreg s26  }
0x12: {  	v0 =	vand.u32 $0x7, v2;
	v2 =	vor.u32 $0x8, v2;
	v1 =	vmul.u32 $0x8, v1;
	s24 =	simm.s32 $0x4200;
	s26 =	simm.s32 $0x5200;
	s23 =	simm.s32 $0x8A00  }
.LBB2_1:
0x13: {  	s16 =	rddreg [dreg:$0x4]  }
0x14: {  	[tilespmem:s3], [sflag:$0x3] =	stream.linear.gather [hbm4b:s16+s3], $0x200, $0x38;
	[tilespmem:$0x10200] =	vst v63  }
0x15: {  	_ =	swait.ge [sflag:s6], $0x200  }
0x16: {  	[sflag:s6] =	ssyncset.done $0x0  }
0x17: {  	[sflag:s6] =	ssyncadd.s32 $0xFFFFFE00  }
0x18: {  	v3 =	vld [tilespmem:$0x0];
	_ =	sdelay $0x4  }
0x19: {  	v4 =	vshll.u32 v3, $0x1  }
0x1a: {  	v3 =	vand.u32 $0x7, v3;
	v4 =	vand.u32 $0xFFFFFFF0, v4  }
0x1b: {  	v3 =	vor.u32 v3, v4  }
0x1c: {  	v4 =	vperm.xlane v3, v0;
	_ =	sdelay $0x1  }
0x1d: {  	v3 =	vperm.xlane v3, v2;
	v4 =	vadd.s32 v1, v4;
	_ =	sdelay $0x1  }
0x1e: {  	v3 =	vadd.s32 v1, v3;
	_ =	sdelay $0x1  }
0x1f: {  	s0 =	simm.s32 $0x200  }
0x20: {  	[tilespmem:s0], [sflag:$0x1] =	stream.indirect_vreg.gather [hbm4b:s1+s3], $0x80, v4, vm0, $0xb8;
	[tilespmem:$0x10200] =	vst v63  }
0x21: {  	s16 =	simm.s32 $0xA00  }
0x22: {  	[tilespmem:s16], [sflag:$0x1] =	stream.indirect_vreg.gather [hbm4b:s1+s3], $0x80, v3, vm0, $0xb8;
	[tilespmem:$0x10200] =	vst v63  }
0x23: {  	v3 =	vld [tilespmem:$0x10];
	_ =	sdelay $0x4  }
0x24: {  	v33 =	vshll.u32 v3, $0x1  }
0x25: {  	v3 =	vand.u32 $0x7, v3;
	v4 =	vand.u32 $0xFFFFFFF0, v33  }
0x26: {  	v3 =	vor.u32 v3, v4  }
0x27: {  	v4 =	vperm.xlane v3, v0;
	_ =	sdelay $0x1  }
0x28: {  	v3 =	vperm.xlane v3, v2;
	v4 =	vadd.s32 v1, v4;
	_ =	sdelay $0x1  }
0x29: {  	v3 =	vadd.s32 v1, v3;
	_ =	sdelay $0x2  }
0x2a: {  	[tilespmem:s17], [sflag:$0x1] =	stream.indirect_vreg.gather [hbm4b:s1+s3], $0x80, v4, vm0, $0xb8;
	[tilespmem:$0x10200] =	vst v63  }
0x2b: {  	_ = 	snop  }
0x2c: {  	[tilespmem:s18], [sflag:$0x1] =	stream.indirect_vreg.gather [hbm4b:s1+s3], $0x80, v3, vm0, $0xb8;
	[tilespmem:$0x10200] =	vst v63  }
0x2d: {  	v3 =	vld [tilespmem:$0x20];
	_ =	sdelay $0x4  }
0x2e: {  	v34 =	vshll.u32 v3, $0x1  }
0x2f: {  	v3 =	vand.u32 $0x7, v3;
	v4 =	vand.u32 $0xFFFFFFF0, v34  }
0x30: {  	v3 =	vor.u32 v3, v4  }
0x31: {  	v4 =	vperm.xlane v3, v0;
	_ =	sdelay $0x1  }
0x32: {  	v3 =	vperm.xlane v3, v2;
	v4 =	vadd.s32 v1, v4;
	_ =	sdelay $0x1  }
0x33: {  	v3 =	vadd.s32 v1, v3;
	_ =	sdelay $0x2  }
0x34: {  	[tilespmem:s19], [sflag:$0x1] =	stream.indirect_vreg.gather [hbm4b:s1+s3], $0x80, v4, vm0, $0xb8;
	[tilespmem:$0x10200] =	vst v63  }
0x35: {  	_ = 	snop  }
0x36: {  	[tilespmem:s20], [sflag:$0x1] =	stream.indirect_vreg.gather [hbm4b:s1+s3], $0x80, v3, vm0, $0xb8;
	[tilespmem:$0x10200] =	vst v63  }
0x37: {  	v3 =	vld [tilespmem:$0x30];
	_ =	sdelay $0x4  }
0x38: {  	v35 =	vshll.u32 v3, $0x1  }
0x39: {  	v3 =	vand.u32 $0x7, v3;
	v4 =	vand.u32 $0xFFFFFFF0, v35  }
0x3a: {  	v3 =	vor.u32 v3, v4  }
0x3b: {  	v4 =	vperm.xlane v3, v0;
	_ =	sdelay $0x1  }
0x3c: {  	v3 =	vperm.xlane v3, v2;
	v4 =	vadd.s32 v1, v4;
	_ =	sdelay $0x1  }
0x3d: {  	v3 =	vadd.s32 v1, v3;
	_ =	sdelay $0x2  }
0x3e: {  	[tilespmem:s21], [sflag:$0x1] =	stream.indirect_vreg.gather [hbm4b:s1+s3], $0x80, v4, vm0, $0xb8;
	[tilespmem:$0x10200] =	vst v63  }
0x3f: {  	_ = 	snop  }
0x40: {  	[tilespmem:s22], [sflag:$0x1] =	stream.indirect_vreg.gather [hbm4b:s1+s3], $0x80, v3, vm0, $0xb8;
	[tilespmem:$0x10200] =	vst v63  }
0x41: {  	v3 =	vld [tilespmem:$0x40];
	_ =	sdelay $0x4  }
0x42: {  	v36 =	vshll.u32 v3, $0x1  }
0x43: {  	v3 =	vand.u32 $0x7, v3;
	v4 =	vand.u32 $0xFFFFFFF0, v36  }
0x44: {  	v3 =	vor.u32 v3, v4  }
0x45: {  	v4 =	vperm.xlane v3, v0;
	_ =	sdelay $0x1  }
0x46: {  	v3 =	vperm.xlane v3, v2;
	v4 =	vadd.s32 v1, v4;
	_ =	sdelay $0x1  }
0x47: {  	v3 =	vadd.s32 v1, v3;
	_ =	sdelay $0x2  }
0x48: {  	[tilespmem:s24], [sflag:$0x1] =	stream.indirect_vreg.gather [hbm4b:s1+s3], $0x80, v4, vm0, $0xb8;
	[tilespmem:$0x10200] =	vst v63  }
0x49: {  	_ = 	snop  }
0x4a: {  	[tilespmem:s25], [sflag:$0x1] =	stream.indirect_vreg.gather [hbm4b:s1+s3], $0x80, v3, vm0, $0xb8;
	[tilespmem:$0x10200] =	vst v63  }
0x4b: {  	v3 =	vld [tilespmem:$0x50];
	_ =	sdelay $0x4  }
0x4c: {  	v37 =	vshll.u32 v3, $0x1  }
0x4d: {  	v3 =	vand.u32 $0x7, v3;
	v4 =	vand.u32 $0xFFFFFFF0, v37  }
0x4e: {  	v3 =	vor.u32 v3, v4  }
0x4f: {  	v4 =	vperm.xlane v3, v0;
	_ =	sdelay $0x1  }
0x50: {  	v3 =	vperm.xlane v3, v2;
	v4 =	vadd.s32 v1, v4;
	_ =	sdelay $0x1  }
0x51: {  	v3 =	vadd.s32 v1, v3;
	_ =	sdelay $0x2  }
0x52: {  	[tilespmem:s26], [sflag:$0x1] =	stream.indirect_vreg.gather [hbm4b:s1+s3], $0x80, v4, vm0, $0xb8;
	[tilespmem:$0x10200] =	vst v63  }
0x53: {  	_ = 	snop  }
0x54: {  	[tilespmem:s28], [sflag:$0x1] =	stream.indirect_vreg.gather [hbm4b:s1+s3], $0x80, v3, vm0, $0xb8;
	[tilespmem:$0x10200] =	vst v63  }
0x55: {  	v3 =	vld [tilespmem:$0x60];
	_ =	sdelay $0x4  }
0x56: {  	v38 =	vshll.u32 v3, $0x1  }
0x57: {  	v3 =	vand.u32 $0x7, v3;
	v4 =	vand.u32 $0xFFFFFFF0, v38  }
0x58: {  	v3 =	vor.u32 v3, v4  }
0x59: {  	v4 =	vperm.xlane v3, v0;
	_ =	sdelay $0x1  }
0x5a: {  	v3 =	vperm.xlane v3, v2;
	v4 =	vadd.s32 v1, v4;
	_ =	sdelay $0x1  }
0x5b: {  	v3 =	vadd.s32 v1, v3;
	_ =	sdelay $0x2  }
0x5c: {  	[tilespmem:s29], [sflag:$0x1] =	stream.indirect_vreg.gather [hbm4b:s1+s3], $0x80, v4, vm0, $0xb8;
	[tilespmem:$0x10200] =	vst v63  }
0x5d: {  	_ = 	snop  }
0x5e: {  	[tilespmem:s30], [sflag:$0x1] =	stream.indirect_vreg.gather [hbm4b:s1+s3], $0x80, v3, vm0, $0xb8;
	[tilespmem:$0x10200] =	vst v63  }
0x5f: {  	v3 =	vld [tilespmem:$0x70];
	_ =	sdelay $0x4  }
0x60: {  	v39 =	vshll.u32 v3, $0x1  }
0x61: {  	v3 =	vand.u32 $0x7, v3;
	v4 =	vand.u32 $0xFFFFFFF0, v39  }
0x62: {  	v3 =	vor.u32 v3, v4  }
0x63: {  	v4 =	vperm.xlane v3, v0;
	_ =	sdelay $0x1  }
0x64: {  	v3 =	vperm.xlane v3, v2;
	v4 =	vadd.s32 v1, v4;
	_ =	sdelay $0x1  }
0x65: {  	v3 =	vadd.s32 v1, v3;
	_ =	sdelay $0x2  }
0x66: {  	[tilespmem:s31], [sflag:$0x1] =	stream.indirect_vreg.gather [hbm4b:s1+s3], $0x80, v4, vm0, $0xb8;
	[tilespmem:$0x10200] =	vst v63  }
0x67: {  	s2 =	simm.s32 $0x7A00  }
0x68: {  	[tilespmem:s2], [sflag:$0x1] =	stream.indirect_vreg.gather [hbm4b:s1+s3], $0x80, v3, vm0, $0xb8;
	[tilespmem:$0x10200] =	vst v63  }
0x69: {  	v3 =	vld [tilespmem:$0x80];
	_ =	sdelay $0x4  }
0x6a: {  	v40 =	vshll.u32 v3, $0x1  }
0x6b: {  	v3 =	vand.u32 $0x7, v3;
	v4 =	vand.u32 $0xFFFFFFF0, v40  }
0x6c: {  	v3 =	vor.u32 v3, v4  }
0x6d: {  	v4 =	vperm.xlane v3, v0;
	_ =	sdelay $0x1  }
0x6e: {  	v3 =	vperm.xlane v3, v2;
	v4 =	vadd.s32 v1, v4;
	_ =	sdelay $0x1  }
0x6f: {  	v3 =	vadd.s32 v1, v3;
	_ =	sdelay $0x1  }
0x70: {  	s0 =	simm.s32 $0x8200  }
0x71: {  	[tilespmem:s0], [sflag:$0x2] =	stream.indirect_vreg.gather [hbm4b:s1+s3], $0x80, v4, vm0, $0xb8;
	[tilespmem:$0x10200] =	vst v63  }
0x72: {  	_ = 	snop  }
0x73: {  	[tilespmem:s23], [sflag:$0x2] =	stream.indirect_vreg.gather [hbm4b:s1+s3], $0x80, v3, vm0, $0xb8;
	[tilespmem:$0x10200] =	vst v63  }
0x74: {  	v3 =	vld [tilespmem:$0x90];
	_ =	sdelay $0x4  }
0x75: {  	v41 =	vshll.u32 v3, $0x1  }
0x76: {  	v3 =	vand.u32 $0x7, v3;
	v4 =	vand.u32 $0xFFFFFFF0, v41  }
0x77: {  	v3 =	vor.u32 v3, v4  }
0x78: {  	v4 =	vperm.xlane v3, v0;
	_ =	sdelay $0x1  }
0x79: {  	v3 =	vperm.xlane v3, v2;
	v4 =	vadd.s32 v1, v4;
	_ =	sdelay $0x1  }
0x7a: {  	v3 =	vadd.s32 v1, v3;
	_ =	sdelay $0x2  }
0x7b: {  	[tilespmem:s8], [sflag:$0x2] =	stream.indirect_vreg.gather [hbm4b:s1+s3], $0x80, v4, vm0, $0xb8;
	[tilespmem:$0x10200] =	vst v63  }
0x7c: {  	_ = 	snop  }
0x7d: {  	[tilespmem:s9], [sflag:$0x2] =	stream.indirect_vreg.gather [hbm4b:s1+s3], $0x80, v3, vm0, $0xb8;
	[tilespmem:$0x10200] =	vst v63  }
0x7e: {  	v3 =	vld [tilespmem:$0xA0];
	_ =	sdelay $0x4  }
0x7f: {  	v42 =	vshll.u32 v3, $0x1  }
0x80: {  	v3 =	vand.u32 $0x7, v3;
	v4 =	vand.u32 $0xFFFFFFF0, v42  }
0x81: {  	v3 =	vor.u32 v3, v4  }
0x82: {  	v4 =	vperm.xlane v3, v0;
	_ =	sdelay $0x1  }
0x83: {  	v3 =	vperm.xlane v3, v2;
	v4 =	vadd.s32 v1, v4;
	_ =	sdelay $0x1  }
0x84: {  	v3 =	vadd.s32 v1, v3;
	_ =	sdelay $0x2  }
0x85: {  	[tilespmem:s10], [sflag:$0x2] =	stream.indirect_vreg.gather [hbm4b:s1+s3], $0x80, v4, vm0, $0xb8;
	[tilespmem:$0x10200] =	vst v63  }
0x86: {  	_ = 	snop  }
0x87: {  	[tilespmem:s11], [sflag:$0x2] =	stream.indirect_vreg.gather [hbm4b:s1+s3], $0x80, v3, vm0, $0xb8;
	[tilespmem:$0x10200] =	vst v63  }
0x88: {  	v3 =	vld [tilespmem:$0xB0];
	_ =	sdelay $0x4  }
0x89: {  	v43 =	vshll.u32 v3, $0x1  }
0x8a: {  	v3 =	vand.u32 $0x7, v3;
	v4 =	vand.u32 $0xFFFFFFF0, v43  }
0x8b: {  	v3 =	vor.u32 v3, v4  }
0x8c: {  	v4 =	vperm.xlane v3, v0;
	_ =	sdelay $0x1  }
0x8d: {  	v3 =	vperm.xlane v3, v2;
	v4 =	vadd.s32 v1, v4;
	_ =	sdelay $0x1  }
0x8e: {  	v3 =	vadd.s32 v1, v3;
	_ =	sdelay $0x1  }
0x8f: {  	s7 =	simm.s32 $0xB200  }
0x90: {  	[tilespmem:s7], [sflag:$0x2] =	stream.indirect_vreg.gather [hbm4b:s1+s3], $0x80, v4, vm0, $0xb8;
	[tilespmem:$0x10200] =	vst v63  }
0x91: {  	_ = 	snop  }
0x92: {  	[tilespmem:s13], [sflag:$0x2] =	stream.indirect_vreg.gather [hbm4b:s1+s3], $0x80, v3, vm0, $0xb8;
	[tilespmem:$0x10200] =	vst v63  }
0x93: {  	v3 =	vld [tilespmem:$0xC0];
	_ =	sdelay $0x4  }
0x94: {  	v44 =	vshll.u32 v3, $0x1  }
0x95: {  	v3 =	vand.u32 $0x7, v3;
	v4 =	vand.u32 $0xFFFFFFF0, v44  }
0x96: {  	v3 =	vor.u32 v3, v4  }
0x97: {  	v4 =	vperm.xlane v3, v0;
	_ =	sdelay $0x1  }
0x98: {  	v3 =	vperm.xlane v3, v2;
	v4 =	vadd.s32 v1, v4;
	_ =	sdelay $0x1  }
0x99: {  	v3 =	vadd.s32 v1, v3;
	_ =	sdelay $0x1  }
0x9a: {  	s7 =	simm.s32 $0xC200  }
0x9b: {  	[tilespmem:s7], [sflag:$0x2] =	stream.indirect_vreg.gather [hbm4b:s1+s3], $0x80, v4, vm0, $0xb8;
	[tilespmem:$0x10200] =	vst v63  }
0x9c: {  	s12 =	simm.s32 $0xCA00  }
0x9d: {  	[tilespmem:s12], [sflag:$0x2] =	stream.indirect_vreg.gather [hbm4b:s1+s3], $0x80, v3, vm0, $0xb8;
	[tilespmem:$0x10200] =	vst v63  }
0x9e: {  	v3 =	vld [tilespmem:$0xD0];
	_ =	sdelay $0x4  }
0x9f: {  	v45 =	vshll.u32 v3, $0x1  }
0xa0: {  	v3 =	vand.u32 $0x7, v3;
	v4 =	vand.u32 $0xFFFFFFF0, v45  }
0xa1: {  	v3 =	vor.u32 v3, v4  }
0xa2: {  	v4 =	vperm.xlane v3, v0;
	_ =	sdelay $0x1  }
0xa3: {  	v3 =	vperm.xlane v3, v2;
	v4 =	vadd.s32 v1, v4;
	_ =	sdelay $0x1  }
0xa4: {  	v3 =	vadd.s32 v1, v3;
	_ =	sdelay $0x1  }
0xa5: {  	s12 =	simm.s32 $0xD200  }
0xa6: {  	[tilespmem:s12], [sflag:$0x2] =	stream.indirect_vreg.gather [hbm4b:s1+s3], $0x80, v4, vm0, $0xb8;
	[tilespmem:$0x10200] =	vst v63  }
0xa7: {  	s12 =	simm.s32 $0xDA00  }
0xa8: {  	[tilespmem:s12], [sflag:$0x2] =	stream.indirect_vreg.gather [hbm4b:s1+s3], $0x80, v3, vm0, $0xb8;
	[tilespmem:$0x10200] =	vst v63  }
0xa9: {  	v3 =	vld [tilespmem:$0xE0];
	_ =	sdelay $0x4  }
0xaa: {  	v46 =	vshll.u32 v3, $0x1  }
0xab: {  	v3 =	vand.u32 $0x7, v3;
	v4 =	vand.u32 $0xFFFFFFF0, v46  }
0xac: {  	v3 =	vor.u32 v3, v4  }
0xad: {  	v4 =	vperm.xlane v3, v0;
	_ =	sdelay $0x1  }
0xae: {  	v3 =	vperm.xlane v3, v2;
	v4 =	vadd.s32 v1, v4;
	_ =	sdelay $0x1  }
0xaf: {  	v3 =	vadd.s32 v1, v3;
	_ =	sdelay $0x1  }
0xb0: {  	s12 =	simm.s32 $0xE200  }
0xb1: {  	[tilespmem:s12], [sflag:$0x2] =	stream.indirect_vreg.gather [hbm4b:s1+s3], $0x80, v4, vm0, $0xb8;
	[tilespmem:$0x10200] =	vst v63  }
0xb2: {  	s12 =	simm.s32 $0xEA00  }
0xb3: {  	[tilespmem:s12], [sflag:$0x2] =	stream.indirect_vreg.gather [hbm4b:s1+s3], $0x80, v3, vm0, $0xb8;
	[tilespmem:$0x10200] =	vst v63  }
0xb4: {  	v3 =	vld [tilespmem:$0xF0];
	_ =	sdelay $0x4  }
0xb5: {  	v47 =	vshll.u32 v3, $0x1  }
0xb6: {  	v3 =	vand.u32 $0x7, v3;
	v4 =	vand.u32 $0xFFFFFFF0, v47  }
0xb7: {  	v3 =	vor.u32 v3, v4  }
0xb8: {  	v4 =	vperm.xlane v3, v0;
	_ =	sdelay $0x1  }
0xb9: {  	v3 =	vperm.xlane v3, v2;
	v4 =	vadd.s32 v1, v4;
	_ =	sdelay $0x1  }
0xba: {  	v3 =	vadd.s32 v1, v3;
	_ =	sdelay $0x1  }
0xbb: {  	s12 =	simm.s32 $0xF200  }
0xbc: {  	[tilespmem:s12], [sflag:$0x2] =	stream.indirect_vreg.gather [hbm4b:s1+s3], $0x80, v4, vm0, $0xb8;
	[tilespmem:$0x10200] =	vst v63  }
0xbd: {  	s12 =	simm.s32 $0xFA00  }
0xbe: {  	[tilespmem:s12], [sflag:$0x2] =	stream.indirect_vreg.gather [hbm4b:s1+s3], $0x80, v3, vm0, $0xb8;
	[tilespmem:$0x10200] =	vst v63  }
0xbf: {  	_ =	swait.ge [sflag:s4], $0x8000  }
0xc0: {  	[sflag:s4] =	ssyncset.done $0x0  }
0xc1: {  	s12 =	rddreg [dreg:$0x8];
	[sflag:s4] =	ssyncadd.s32 $0xFFFF8000  }
0xc2: {  	[hbm4b:s12+s3] =	stream.linear.scatter [tilespmem:s14], [sflag:$0x3], $0x8000, $0x38;
	[tilespmem:$0x10200] =	vst v63  }
0xc3: {  	_ =	swait.ge [sflag:s6], $0x8000  }
0xc4: {  	[sflag:s6] =	ssyncset.done $0x0  }
0xc5: {  	[sflag:s6] =	ssyncadd.s32 $0xFFFF8000  }
0xc6: {  	v3 =	vld [tilespmem:$0x100];
	_ =	sdelay $0x4  }
0xc7: {  	v48 =	vshll.u32 v3, $0x1  }
0xc8: {  	v3 =	vand.u32 $0x7, v3;
	v4 =	vand.u32 $0xFFFFFFF0, v48  }
0xc9: {  	v3 =	vor.u32 v3, v4  }
0xca: {  	v4 =	vperm.xlane v3, v0;
	_ =	sdelay $0x1  }
0xcb: {  	v3 =	vperm.xlane v3, v2;
	v4 =	vadd.s32 v1, v4;
	_ =	sdelay $0x1  }
0xcc: {  	v3 =	vadd.s32 v1, v3;
	_ =	sdelay $0x2  }
0xcd: {  	[tilespmem:s14], [sflag:$0x1] =	stream.indirect_vreg.gather [hbm4b:s1+s3], $0x80, v4, vm0, $0xb8;
	[tilespmem:$0x10200] =	vst v63  }
0xce: {  	_ = 	snop  }
0xcf: {  	[tilespmem:s16], [sflag:$0x1] =	stream.indirect_vreg.gather [hbm4b:s1+s3], $0x80, v3, vm0, $0xb8;
	[tilespmem:$0x10200] =	vst v63  }
0xd0: {  	v3 =	vld [tilespmem:$0x110];
	_ =	sdelay $0x4  }
0xd1: {  	v49 =	vshll.u32 v3, $0x1  }
0xd2: {  	v3 =	vand.u32 $0x7, v3;
	v4 =	vand.u32 $0xFFFFFFF0, v49  }
0xd3: {  	v3 =	vor.u32 v3, v4  }
0xd4: {  	v4 =	vperm.xlane v3, v0;
	_ =	sdelay $0x1  }
0xd5: {  	v3 =	vperm.xlane v3, v2;
	v4 =	vadd.s32 v1, v4;
	_ =	sdelay $0x1  }
0xd6: {  	v3 =	vadd.s32 v1, v3;
	_ =	sdelay $0x2  }
0xd7: {  	[tilespmem:s17], [sflag:$0x1] =	stream.indirect_vreg.gather [hbm4b:s1+s3], $0x80, v4, vm0, $0xb8;
	[tilespmem:$0x10200] =	vst v63  }
0xd8: {  	_ = 	snop  }
0xd9: {  	[tilespmem:s18], [sflag:$0x1] =	stream.indirect_vreg.gather [hbm4b:s1+s3], $0x80, v3, vm0, $0xb8;
	[tilespmem:$0x10200] =	vst v63  }
0xda: {  	v3 =	vld [tilespmem:$0x120];
	_ =	sdelay $0x4  }
0xdb: {  	v50 =	vshll.u32 v3, $0x1  }
0xdc: {  	v3 =	vand.u32 $0x7, v3;
	v4 =	vand.u32 $0xFFFFFFF0, v50  }
0xdd: {  	v3 =	vor.u32 v3, v4  }
0xde: {  	v4 =	vperm.xlane v3, v0;
	_ =	sdelay $0x1  }
0xdf: {  	v3 =	vperm.xlane v3, v2;
	v4 =	vadd.s32 v1, v4;
	_ =	sdelay $0x1  }
0xe0: {  	v3 =	vadd.s32 v1, v3;
	_ =	sdelay $0x2  }
0xe1: {  	[tilespmem:s19], [sflag:$0x1] =	stream.indirect_vreg.gather [hbm4b:s1+s3], $0x80, v4, vm0, $0xb8;
	[tilespmem:$0x10200] =	vst v63  }
0xe2: {  	_ = 	snop  }
0xe3: {  	[tilespmem:s20], [sflag:$0x1] =	stream.indirect_vreg.gather [hbm4b:s1+s3], $0x80, v3, vm0, $0xb8;
	[tilespmem:$0x10200] =	vst v63  }
0xe4: {  	v3 =	vld [tilespmem:$0x130];
	_ =	sdelay $0x4  }
0xe5: {  	v51 =	vshll.u32 v3, $0x1  }
0xe6: {  	v3 =	vand.u32 $0x7, v3;
	v4 =	vand.u32 $0xFFFFFFF0, v51  }
0xe7: {  	v3 =	vor.u32 v3, v4  }
0xe8: {  	v4 =	vperm.xlane v3, v0;
	_ =	sdelay $0x1  }
0xe9: {  	v3 =	vperm.xlane v3, v2;
	v4 =	vadd.s32 v1, v4;
	_ =	sdelay $0x1  }
0xea: {  	v3 =	vadd.s32 v1, v3;
	_ =	sdelay $0x2  }
0xeb: {  	[tilespmem:s21], [sflag:$0x1] =	stream.indirect_vreg.gather [hbm4b:s1+s3], $0x80, v4, vm0, $0xb8;
	[tilespmem:$0x10200] =	vst v63  }
0xec: {  	_ = 	snop  }
0xed: {  	[tilespmem:s22], [sflag:$0x1] =	stream.indirect_vreg.gather [hbm4b:s1+s3], $0x80, v3, vm0, $0xb8;
	[tilespmem:$0x10200] =	vst v63  }
0xee: {  	v3 =	vld [tilespmem:$0x140];
	_ =	sdelay $0x4  }
0xef: {  	v52 =	vshll.u32 v3, $0x1  }
0xf0: {  	v3 =	vand.u32 $0x7, v3;
	v4 =	vand.u32 $0xFFFFFFF0, v52  }
0xf1: {  	v3 =	vor.u32 v3, v4  }
0xf2: {  	v4 =	vperm.xlane v3, v0;
	_ =	sdelay $0x1  }
0xf3: {  	v3 =	vperm.xlane v3, v2;
	v4 =	vadd.s32 v1, v4;
	_ =	sdelay $0x1  }
0xf4: {  	v3 =	vadd.s32 v1, v3;
	_ =	sdelay $0x2  }
0xf5: {  	[tilespmem:s24], [sflag:$0x1] =	stream.indirect_vreg.gather [hbm4b:s1+s3], $0x80, v4, vm0, $0xb8;
	[tilespmem:$0x10200] =	vst v63  }
0xf6: {  	_ = 	snop  }
0xf7: {  	[tilespmem:s25], [sflag:$0x1] =	stream.indirect_vreg.gather [hbm4b:s1+s3], $0x80, v3, vm0, $0xb8;
	[tilespmem:$0x10200] =	vst v63  }
0xf8: {  	v3 =	vld [tilespmem:$0x150];
	_ =	sdelay $0x4  }
0xf9: {  	v53 =	vshll.u32 v3, $0x1  }
0xfa: {  	v3 =	vand.u32 $0x7, v3;
	v4 =	vand.u32 $0xFFFFFFF0, v53  }
0xfb: {  	v3 =	vor.u32 v3, v4  }
0xfc: {  	v4 =	vperm.xlane v3, v0;
	_ =	sdelay $0x1  }
0xfd: {  	v3 =	vperm.xlane v3, v2;
	v4 =	vadd.s32 v1, v4;
	_ =	sdelay $0x1  }
0xfe: {  	v3 =	vadd.s32 v1, v3;
	_ =	sdelay $0x2  }
0xff: {  	[tilespmem:s26], [sflag:$0x1] =	stream.indirect_vreg.gather [hbm4b:s1+s3], $0x80, v4, vm0, $0xb8;
	[tilespmem:$0x10200] =	vst v63  }
0x100: {  	_ = 	snop  }
0x101: {  	[tilespmem:s28], [sflag:$0x1] =	stream.indirect_vreg.gather [hbm4b:s1+s3], $0x80, v3, vm0, $0xb8;
	[tilespmem:$0x10200] =	vst v63  }
0x102: {  	v3 =	vld [tilespmem:$0x160];
	_ =	sdelay $0x4  }
0x103: {  	v54 =	vshll.u32 v3, $0x1  }
0x104: {  	v3 =	vand.u32 $0x7, v3;
	v4 =	vand.u32 $0xFFFFFFF0, v54  }
0x105: {  	v3 =	vor.u32 v3, v4  }
0x106: {  	v4 =	vperm.xlane v3, v0;
	_ =	sdelay $0x1  }
0x107: {  	v3 =	vperm.xlane v3, v2;
	v4 =	vadd.s32 v1, v4;
	_ =	sdelay $0x1  }
0x108: {  	v3 =	vadd.s32 v1, v3;
	_ =	sdelay $0x2  }
0x109: {  	[tilespmem:s29], [sflag:$0x1] =	stream.indirect_vreg.gather [hbm4b:s1+s3], $0x80, v4, vm0, $0xb8;
	[tilespmem:$0x10200] =	vst v63  }
0x10a: {  	_ = 	snop  }
0x10b: {  	[tilespmem:s30], [sflag:$0x1] =	stream.indirect_vreg.gather [hbm4b:s1+s3], $0x80, v3, vm0, $0xb8;
	[tilespmem:$0x10200] =	vst v63  }
0x10c: {  	v3 =	vld [tilespmem:$0x170];
	_ =	sdelay $0x4  }
0x10d: {  	v55 =	vshll.u32 v3, $0x1  }
0x10e: {  	v3 =	vand.u32 $0x7, v3;
	v4 =	vand.u32 $0xFFFFFFF0, v55  }
0x10f: {  	v3 =	vor.u32 v3, v4  }
0x110: {  	v4 =	vperm.xlane v3, v0;
	_ =	sdelay $0x1  }
0x111: {  	v3 =	vperm.xlane v3, v2;
	v4 =	vadd.s32 v1, v4;
	_ =	sdelay $0x1  }
0x112: {  	v3 =	vadd.s32 v1, v3;
	_ =	sdelay $0x2  }
0x113: {  	[tilespmem:s31], [sflag:$0x1] =	stream.indirect_vreg.gather [hbm4b:s1+s3], $0x80, v4, vm0, $0xb8;
	[tilespmem:$0x10200] =	vst v63  }
0x114: {  	_ = 	snop  }
0x115: {  	[tilespmem:s2], [sflag:$0x1] =	stream.indirect_vreg.gather [hbm4b:s1+s3], $0x80, v3, vm0, $0xb8;
	[tilespmem:$0x10200] =	vst v63  }
0x116: {  	_ =	swait.ge [sflag:s15], $0x8000  }
0x117: {  	[sflag:s15] =	ssyncset.done $0x0  }
0x118: {  	s2 =	rddreg [dreg:$0x5];
	[sflag:s15] =	ssyncadd.s32 $0xFFFF8000  }
0x119: {  	[hbm4b:s2+s3] =	stream.linear.scatter [tilespmem:s0], [sflag:$0x3], $0x8000, $0x38;
	[tilespmem:$0x10200] =	vst v63  }
0x11a: {  	_ =	swait.ge [sflag:s6], $0x8000  }
0x11b: {  	[sflag:s6] =	ssyncset.done $0x0  }
0x11c: {  	[sflag:s6] =	ssyncadd.s32 $0xFFFF8000  }
0x11d: {  	v3 =	vld [tilespmem:$0x180];
	_ =	sdelay $0x4  }
0x11e: {  	v56 =	vshll.u32 v3, $0x1  }
0x11f: {  	v3 =	vand.u32 $0x7, v3;
	v4 =	vand.u32 $0xFFFFFFF0, v56  }
0x120: {  	v3 =	vor.u32 v3, v4  }
0x121: {  	v4 =	vperm.xlane v3, v0;
	_ =	sdelay $0x1  }
0x122: {  	v3 =	vperm.xlane v3, v2;
	v4 =	vadd.s32 v1, v4;
	_ =	sdelay $0x1  }
0x123: {  	v3 =	vadd.s32 v1, v3;
	_ =	sdelay $0x2  }
0x124: {  	[tilespmem:s0], [sflag:$0x2] =	stream.indirect_vreg.gather [hbm4b:s1+s3], $0x80, v4, vm0, $0xb8;
	[tilespmem:$0x10200] =	vst v63  }
0x125: {  	_ = 	snop  }
0x126: {  	[tilespmem:s23], [sflag:$0x2] =	stream.indirect_vreg.gather [hbm4b:s1+s3], $0x80, v3, vm0, $0xb8;
	[tilespmem:$0x10200] =	vst v63  }
0x127: {  	v3 =	vld [tilespmem:$0x190];
	_ =	sdelay $0x4  }
0x128: {  	v57 =	vshll.u32 v3, $0x1  }
0x129: {  	v3 =	vand.u32 $0x7, v3;
	v4 =	vand.u32 $0xFFFFFFF0, v57  }
0x12a: {  	v3 =	vor.u32 v3, v4  }
0x12b: {  	v4 =	vperm.xlane v3, v0;
	_ =	sdelay $0x1  }
0x12c: {  	v3 =	vperm.xlane v3, v2;
	v4 =	vadd.s32 v1, v4;
	_ =	sdelay $0x1  }
0x12d: {  	v3 =	vadd.s32 v1, v3;
	_ =	sdelay $0x2  }
0x12e: {  	[tilespmem:s8], [sflag:$0x2] =	stream.indirect_vreg.gather [hbm4b:s1+s3], $0x80, v4, vm0, $0xb8;
	[tilespmem:$0x10200] =	vst v63  }
0x12f: {  	_ = 	snop  }
0x130: {  	[tilespmem:s9], [sflag:$0x2] =	stream.indirect_vreg.gather [hbm4b:s1+s3], $0x80, v3, vm0, $0xb8;
	[tilespmem:$0x10200] =	vst v63  }
0x131: {  	v3 =	vld [tilespmem:$0x1A0];
	_ =	sdelay $0x4  }
0x132: {  	v58 =	vshll.u32 v3, $0x1  }
0x133: {  	v3 =	vand.u32 $0x7, v3;
	v4 =	vand.u32 $0xFFFFFFF0, v58  }
0x134: {  	v3 =	vor.u32 v3, v4  }
0x135: {  	v4 =	vperm.xlane v3, v0;
	_ =	sdelay $0x1  }
0x136: {  	v3 =	vperm.xlane v3, v2;
	v4 =	vadd.s32 v1, v4;
	_ =	sdelay $0x1  }
0x137: {  	v3 =	vadd.s32 v1, v3;
	_ =	sdelay $0x2  }
0x138: {  	[tilespmem:s10], [sflag:$0x2] =	stream.indirect_vreg.gather [hbm4b:s1+s3], $0x80, v4, vm0, $0xb8;
	[tilespmem:$0x10200] =	vst v63  }
0x139: {  	_ = 	snop  }
0x13a: {  	[tilespmem:s11], [sflag:$0x2] =	stream.indirect_vreg.gather [hbm4b:s1+s3], $0x80, v3, vm0, $0xb8;
	[tilespmem:$0x10200] =	vst v63  }
0x13b: {  	v3 =	vld [tilespmem:$0x1B0];
	_ =	sdelay $0x4  }
0x13c: {  	v59 =	vshll.u32 v3, $0x1  }
0x13d: {  	v3 =	vand.u32 $0x7, v3;
	v4 =	vand.u32 $0xFFFFFFF0, v59  }
0x13e: {  	v3 =	vor.u32 v3, v4  }
0x13f: {  	v4 =	vperm.xlane v3, v0;
	_ =	sdelay $0x1  }
0x140: {  	v3 =	vperm.xlane v3, v2;
	v4 =	vadd.s32 v1, v4;
	_ =	sdelay $0x1  }
0x141: {  	v3 =	vadd.s32 v1, v3;
	_ =	sdelay $0x1  }
0x142: {  	s16 =	simm.s32 $0xB200  }
0x143: {  	[tilespmem:s16], [sflag:$0x2] =	stream.indirect_vreg.gather [hbm4b:s1+s3], $0x80, v4, vm0, $0xb8;
	[tilespmem:$0x10200] =	vst v63  }
0x144: {  	_ = 	snop  }
0x145: {  	[tilespmem:s13], [sflag:$0x2] =	stream.indirect_vreg.gather [hbm4b:s1+s3], $0x80, v3, vm0, $0xb8;
	[tilespmem:$0x10200] =	vst v63  }
0x146: {  	v3 =	vld [tilespmem:$0x1C0];
	_ =	sdelay $0x4  }
0x147: {  	v60 =	vshll.u32 v3, $0x1  }
0x148: {  	v3 =	vand.u32 $0x7, v3;
	v4 =	vand.u32 $0xFFFFFFF0, v60  }
0x149: {  	v3 =	vor.u32 v3, v4  }
0x14a: {  	v4 =	vperm.xlane v3, v0;
	_ =	sdelay $0x1  }
0x14b: {  	v3 =	vperm.xlane v3, v2;
	v4 =	vadd.s32 v1, v4;
	_ =	sdelay $0x1  }
0x14c: {  	v3 =	vadd.s32 v1, v3;
	_ =	sdelay $0x2  }
0x14d: {  	[tilespmem:s7], [sflag:$0x2] =	stream.indirect_vreg.gather [hbm4b:s1+s3], $0x80, v4, vm0, $0xb8;
	[tilespmem:$0x10200] =	vst v63  }
0x14e: {  	s16 =	simm.s32 $0xCA00  }
0x14f: {  	[tilespmem:s16], [sflag:$0x2] =	stream.indirect_vreg.gather [hbm4b:s1+s3], $0x80, v3, vm0, $0xb8;
	[tilespmem:$0x10200] =	vst v63  }
0x150: {  	v3 =	vld [tilespmem:$0x1D0];
	_ =	sdelay $0x4  }
0x151: {  	v61 =	vshll.u32 v3, $0x1  }
0x152: {  	v3 =	vand.u32 $0x7, v3;
	v4 =	vand.u32 $0xFFFFFFF0, v61  }
0x153: {  	v3 =	vor.u32 v3, v4  }
0x154: {  	v4 =	vperm.xlane v3, v0;
	_ =	sdelay $0x1  }
0x155: {  	v3 =	vperm.xlane v3, v2;
	v4 =	vadd.s32 v1, v4;
	_ =	sdelay $0x1  }
0x156: {  	v3 =	vadd.s32 v1, v3;
	_ =	sdelay $0x1  }
0x157: {  	s7 =	simm.s32 $0xD200  }
0x158: {  	[tilespmem:s7], [sflag:$0x2] =	stream.indirect_vreg.gather [hbm4b:s1+s3], $0x80, v4, vm0, $0xb8;
	[tilespmem:$0x10200] =	vst v63  }
0x159: {  	s16 =	simm.s32 $0xDA00  }
0x15a: {  	[tilespmem:s16], [sflag:$0x2] =	stream.indirect_vreg.gather [hbm4b:s1+s3], $0x80, v3, vm0, $0xb8;
	[tilespmem:$0x10200] =	vst v63  }
0x15b: {  	v3 =	vld [tilespmem:$0x1E0];
	_ =	sdelay $0x4  }
0x15c: {  	v62 =	vshll.u32 v3, $0x1  }
0x15d: {  	v3 =	vand.u32 $0x7, v3;
	v4 =	vand.u32 $0xFFFFFFF0, v62  }
0x15e: {  	v3 =	vor.u32 v3, v4  }
0x15f: {  	v4 =	vperm.xlane v3, v0;
	_ =	sdelay $0x1  }
0x160: {  	v3 =	vperm.xlane v3, v2;
	v4 =	vadd.s32 v1, v4;
	_ =	sdelay $0x1  }
0x161: {  	v3 =	vadd.s32 v1, v3;
	_ =	sdelay $0x1  }
0x162: {  	s7 =	simm.s32 $0xE200  }
0x163: {  	[tilespmem:s7], [sflag:$0x2] =	stream.indirect_vreg.gather [hbm4b:s1+s3], $0x80, v4, vm0, $0xb8;
	[tilespmem:$0x10200] =	vst v63  }
0x164: {  	s16 =	simm.s32 $0xEA00  }
0x165: {  	[tilespmem:s16], [sflag:$0x2] =	stream.indirect_vreg.gather [hbm4b:s1+s3], $0x80, v3, vm0, $0xb8;
	[tilespmem:$0x10200] =	vst v63  }
0x166: {  	v3 =	vld [tilespmem:$0x1F0];
	_ =	sdelay $0x4  }
0x167: {  	v63 =	vshll.u32 v3, $0x1  }
0x168: {  	v3 =	vand.u32 $0x7, v3;
	v4 =	vand.u32 $0xFFFFFFF0, v63  }
0x169: {  	v3 =	vor.u32 v3, v4  }
0x16a: {  	v4 =	vperm.xlane v3, v0;
	_ =	sdelay $0x1  }
0x16b: {  	v3 =	vperm.xlane v3, v2;
	v4 =	vadd.s32 v1, v4;
	_ =	sdelay $0x1  }
0x16c: {  	v3 =	vadd.s32 v1, v3;
	_ =	sdelay $0x1  }
0x16d: {  	s7 =	simm.s32 $0xF200  }
0x16e: {  	[tilespmem:s7], [sflag:$0x2] =	stream.indirect_vreg.gather [hbm4b:s1+s3], $0x80, v4, vm0, $0xb8;
	[tilespmem:$0x10200] =	vst v63  }
0x16f: {  	s16 =	simm.s32 $0xFA00  }
0x170: {  	[tilespmem:s16], [sflag:$0x2] =	stream.indirect_vreg.gather [hbm4b:s1+s3], $0x80, v3, vm0, $0xb8;
	[tilespmem:$0x10200] =	vst v63  }
0x171: {  	_ =	swait.ge [sflag:s4], $0x8000  }
0x172: {  	[sflag:s4] =	ssyncset.done $0x0  }
0x173: {  	s12 =	simm.s32 $0x200;
	s7 =	rddreg [dreg:$0x6];
	[sflag:s4] =	ssyncadd.s32 $0xFFFF8000  }
0x174: {  	[hbm4b:s7+s3] =	stream.linear.scatter [tilespmem:s12], [sflag:$0x3], $0x8000, $0x38;
	[tilespmem:$0x10200] =	vst v63  }
0x175: {  	_ =	swait.ge [sflag:s6], $0x8000  }
0x176: {  	[sflag:s6] =	ssyncset.done $0x0  }
0x177: {  	[sflag:s6] =	ssyncadd.s32 $0xFFFF8000  }
0x178: {  	_ =	swait.ge [sflag:s15], $0x8000  }
0x179: {  	p0 =	sne.s32 s5, $0x1;
	[sflag:s15] =	ssyncset.done $0x0  }
.Ltmp0:
0x17a: {  	s12 =	rddreg [dreg:$0x7];
	[sflag:s15] =	ssyncadd.s32 $0xFFFF8000;
	(pc) =	sbr.rel @p0 .LBB2_1-.Ltmp0, $4  }
0x17b: {  	[hbm4b:s12+s3] =	stream.linear.scatter [tilespmem:s0], [sflag:$0x3], $0x8000, $0x38;
	[tilespmem:$0x10200] =	vst v63  }
0x17c: {  	_ =	swait.ge [sflag:s6], $0x8000  }
0x17d: {  	[sflag:s6] =	ssyncset.done $0x0  }
0x17e: {  	s5 =	sadd.s32 $0xFFFFFFFF, s5;
	[sflag:s6] =	ssyncadd.s32 $0xFFFF8000  }
0x17f: {  	_ =	sfence.sel $0x180000  }
0x180: {  	[bflag:$0x0] =	sbarrier.arrive $0xFFFF  }
0x181: {  	_ =	strace $0x90000047  }
0x182: {  	s0 =	stileid.u32;
	[bflag:$0x2] =	sbarrier.arrive $0xFFFF  }
0x183: {  	p0 =	sne.s32 s0, $0x0;
	s0 =	rddreg [dreg:$0x3]  }
0x184: {  	s0 =	sadd.s32 @!p0 $0x100000, s0  }
0x185: {  	[sflag:s0] =	ssyncadd.tile.s32 @!p0 $0x1;
	_ =	shalt  }
.Lfunc_end2:
_tile_overlayer_lowered:
.L_overlay_start_2:
0x186: {  	(tag) =	ssettag $0x2  }
0x187: {  	s0 =	rddreg [dreg:$0x0];
	s2 =	stileid.u32  }
0x188: {  	s1 =	rddreg [dreg:$0x1];
	p0 =	sne.s32 s2, $0x0  }
0x189: {  	s3 =	rddreg [dreg:$0x2];
	[bflag:$0x3] =	sbarrier.arrive $0xFFFF;
	s2 =	simm.s32 @!p0 $0x1C03  }
0x18a: {  	[timem:s3], [sflag:s2] =	dma.local @!p0 [hbm:s0], s1  }
0x18b: {  	s0 =	simm.s32 @!p0 $0x3  }
0x18c: {  	_ =	swait.ge @!p0 [sflag:s0], s1  }
0x18d: {  	s1 =	ssub.s32 @!p0 $0x0, s1;
	[sflag:s0] =	ssyncset.done @!p0 $0x0  }
0x18e: {  	[sflag:s0] =	ssyncadd.s32 @!p0 s1  }
0x18f: {  	[bflag:$0x3] =	sbarrier.arrive $0xFFFF  }
0x190: {  	_ =	shalt  }

</sc_bundles>
